<compile_context>
chip_gen: v7x
topology: tpu7x:2x2x1
jax: 0.10.2.dev20260603
libtpu: 0.0.44.dev20260713+nightly
codegen_flags: <defaults>
</compile_context>

<pallas_src>
import functools
import jax
import jax.numpy as jnp
from jax import lax
from jax.experimental import pallas as pl
from jax.experimental.pallas import tpu as pltpu
from jax.experimental.pallas import tpu_sc as plsc

D_MODEL = 64
DPAD = 128
SCALE = 8.0
NC = 2
NS = 16
NW = NC * NS
LANES = 16

B_TOTAL = 4096 * 200
BPW = B_TOTAL // NW
CHUNK = 200
NCHUNK = BPW // CHUNK
NBUF = 4


def _emb_body(x_hbm, lut_hbm, out_hbm, idx_v, rows0, rows1, rows2, rows3,
              gsem0, gsem1, gsem2, gsem3, ssem0, ssem1, ssem2, ssem3):
    cid = lax.axis_index("c")
    sid = lax.axis_index("s")
    wid = sid * NC + cid
    base = wid * BPW

    pltpu.sync_copy(x_hbm.at[pl.ds(base, BPW)], idx_v)

    rows = (rows0, rows1, rows2, rows3)
    gsem = (gsem0, gsem1, gsem2, gsem3)
    ssem = (ssem0, ssem1, ssem2, ssem3)

    def start_gather(b, off):
        pltpu.async_copy(lut_hbm.at[idx_v.at[pl.ds(off, CHUNK)]], rows[b],
                         gsem[b])

    def wait_gather(b, off):
        pltpu.make_async_copy(lut_hbm.at[idx_v.at[pl.ds(off, CHUNK)]],
                              rows[b], gsem[b]).wait()

    def start_scatter(b, off):
        pltpu.async_copy(rows[b], out_hbm.at[pl.ds(base + off, CHUNK)],
                         ssem[b])

    def wait_scatter(b, off):
        pltpu.make_async_copy(rows[b], out_hbm.at[pl.ds(base + off, CHUNK)],
                              ssem[b]).wait()

    for b in range(NBUF):
        start_gather(b, b * CHUNK)

    def group(g, carry):
        for b in range(NBUF):
            off = (g * NBUF + b) * CHUNK
            wait_gather(b, off)

            def scale_row(r, c):
                for j in range(D_MODEL // LANES):
                    sl = (r, pl.ds(j * LANES, LANES))
                    rows[b][sl] = rows[b][sl] * SCALE
                return c

            lax.fori_loop(0, CHUNK, scale_row, 0, unroll=2)
            start_scatter(b, off)

            nxt = off + NBUF * CHUNK

            @pl.when(g * NBUF + b + NBUF < NCHUNK)
            def _():
                wait_scatter(b, off)
                start_gather(b, nxt)
        return carry

    lax.fori_loop(0, NCHUNK // NBUF, group, 0)

    for b in range(NBUF):
        off = (NCHUNK - NBUF + b) * CHUNK
        wait_scatter(b, off)


@jax.jit
def _emb(x_flat, lut_pad):
    mesh = plsc.VectorSubcoreMesh(core_axis_name="c", subcore_axis_name="s")
    k = functools.partial(
        pl.kernel,
        mesh=mesh,
        out_type=jax.ShapeDtypeStruct((B_TOTAL, DPAD), jnp.float32),
        compiler_params=pltpu.CompilerParams(use_tc_tiling_on_sc=True),
        scratch_types=[
            pltpu.VMEM((BPW,), jnp.int32),
            pltpu.VMEM((CHUNK, DPAD), jnp.float32),
            pltpu.VMEM((CHUNK, DPAD), jnp.float32),
            pltpu.VMEM((CHUNK, DPAD), jnp.float32),
            pltpu.VMEM((CHUNK, DPAD), jnp.float32),
            pltpu.SemaphoreType.DMA,
            pltpu.SemaphoreType.DMA,
            pltpu.SemaphoreType.DMA,
            pltpu.SemaphoreType.DMA,
            pltpu.SemaphoreType.DMA,
            pltpu.SemaphoreType.DMA,
            pltpu.SemaphoreType.DMA,
            pltpu.SemaphoreType.DMA,
        ],
    )(_emb_body)
    return k(x_flat, lut_pad)


def kernel(x, lut):
    xf = x.reshape(-1).astype(jnp.int32)
    lut_pad = jnp.pad(lut, ((0, 0), (0, DPAD - D_MODEL)))
    out = _emb(xf, lut_pad)
    return out[:, :D_MODEL].reshape(x.shape[0], x.shape[1], D_MODEL)

# --- scband reference (transcript-rebuilt; emitter-appended) ---
"""Pipeline reference for scband-tfembedding-86320252715068 (READ-ONLY COPY).

The authoritative reference and input builder live on the scoring server;
editing this copy changes nothing except your own understanding.
"""

import jax, jax.numpy as jnp
import numpy as np
import math

D_MODEL = 64
N_VOCAB = 1000000

def setup_inputs(seed: int = 0) -> dict:
    key = jax.random.key(seed)
    k1, k2 = jax.random.split(key)
    x = jax.random.randint(k1, (4096, 200), 0, N_VOCAB, dtype=jnp.int64 if jax.config.jax_enable_x64 else jnp.int32)
    # xavier_uniform for embedding weight of shape (N_VOCAB, D_MODEL)
    bound = math.sqrt(6.0 / (N_VOCAB + D_MODEL))
    lut = jax.random.uniform(k2, (N_VOCAB, D_MODEL), dtype=jnp.float32, minval=-bound, maxval=bound)
    return {"x": x, "lut": lut}

def reference(x, lut):
    # TFEmbedding.forward: lut(x) * sqrt(d_model)
    emb = jnp.take(lut, x, axis=0)
    return emb * jnp.sqrt(jnp.float32(D_MODEL))

if __name__ == "__main__":
    import jax
    _d = setup_inputs()
    print(jax.jit(kernel)(*tuple(_d.values())))

</pallas_src>

<mosaic_0001>
#map = affine_map<(d0, d1) -> (0)>
#map1 = affine_map<(d0, d1) -> (0, 0)>
module attributes {stable_mosaic.version = 14 : i64} {
  func.func @_emb_body(%arg0: i32, %arg1: i32, %arg2: memref<819200xi32, #tpu.memory_space<hbm>>, %arg3: memref<1000000x128xf32, #tpu.memory_space<hbm>>, %arg4: memref<819200x128xf32, #tpu.memory_space<hbm>>, %arg5: memref<25600xi32, #tpu.memory_space<vmem>>, %arg6: memref<200x128xf32, #tpu.memory_space<vmem>>, %arg7: memref<200x128xf32, #tpu.memory_space<vmem>>, %arg8: memref<200x128xf32, #tpu.memory_space<vmem>>, %arg9: memref<200x128xf32, #tpu.memory_space<vmem>>, %arg10: memref<!tpu.dma_semaphore, #tpu.memory_space<semaphore_mem>>, %arg11: memref<!tpu.dma_semaphore, #tpu.memory_space<semaphore_mem>>, %arg12: memref<!tpu.dma_semaphore, #tpu.memory_space<semaphore_mem>>, %arg13: memref<!tpu.dma_semaphore, #tpu.memory_space<semaphore_mem>>, %arg14: memref<!tpu.dma_semaphore, #tpu.memory_space<semaphore_mem>>, %arg15: memref<!tpu.dma_semaphore, #tpu.memory_space<semaphore_mem>>, %arg16: memref<!tpu.dma_semaphore, #tpu.memory_space<semaphore_mem>>, %arg17: memref<!tpu.dma_semaphore, #tpu.memory_space<semaphore_mem>>) attributes {dimension_semantics = [#tpu.dimension_semantics<core_parallel>, #tpu.dimension_semantics<subcore_parallel>], iteration_bounds = array<i64: 2, 16>, scalar_prefetch = 0 : i64, scratch_operands = 13 : i64, tpu.core_type = #tpu.core_type<sc_vector_subcore>, window_params = [{transform_indices = #map}, {transform_indices = #map1}, {transform_indices = #map1}]} {
    %mul3A = arith.constant 2 : i32
    %mul3A_0 = arith.muli %arg1, %mul3A : i32
    %add3A = arith.addi %mul3A_0, %arg0 : i32
    %mul3A_1 = arith.constant 25600 : i32
    %mul3A_2 = arith.muli %add3A, %mul3A_1 : i32
    "tpu.region"() ({
      %run_scoped3A = tpu.sem_alloc : memref<!tpu.dma_semaphore, #tpu.memory_space<semaphore_mem>>
      %dma_start3A_50 = tpu.memref_slice %arg2[%mul3A_2] : memref<819200xi32, #tpu.memory_space<hbm>> -> memref<25600xi32, #tpu.memory_space<hbm>>
      %dma_start3A_51 = tpu.memref_slice %arg2[%mul3A_2] : memref<819200xi32, #tpu.memory_space<hbm>> -> memref<25600xi32, #tpu.memory_space<hbm>>
      tpu.enqueue_dma source(%dma_start3A_51 : memref<25600xi32, #tpu.memory_space<hbm>>) target(%arg5 : memref<25600xi32, #tpu.memory_space<vmem>>) target_semaphore(%run_scoped3A : memref<!tpu.dma_semaphore, #tpu.memory_space<semaphore_mem>>)
      %dma_wait3A_52 = tpu.memref_slice %arg2[%mul3A_2] : memref<819200xi32, #tpu.memory_space<hbm>> -> memref<25600xi32, #tpu.memory_space<hbm>>
      %dma_wait3A_53 = tpu.memref_slice %arg2[%mul3A_2] : memref<819200xi32, #tpu.memory_space<hbm>> -> memref<25600xi32, #tpu.memory_space<hbm>>
      tpu.wait_dma2 semaphore(%run_scoped3A : memref<!tpu.dma_semaphore, #tpu.memory_space<semaphore_mem>>) src(%dma_wait3A_53 : memref<25600xi32, #tpu.memory_space<hbm>>) dst(%arg5 : memref<25600xi32, #tpu.memory_space<vmem>>)
      tpu.yield
    }) : () -> ()
    %dma_start3A = arith.constant 0 : i32
    %dma_start3A_3 = tpu.memref_slice %arg5[%dma_start3A] : memref<25600xi32, #tpu.memory_space<vmem>> -> memref<200xi32, #tpu.memory_space<vmem>>
    %dma_start3A_4 = arith.constant 0 : i32
    %dma_start3A_5 = arith.constant 0 : i32
    %dma_start3A_6 = tpu.memref_slice %arg3[%dma_start3A_4, %dma_start3A_5] : memref<1000000x128xf32, #tpu.memory_space<hbm>> -> memref<1000000x128xf32, #tpu.memory_space<hbm>>
    tpu.enqueue_indirect_dma source(%dma_start3A_6 : memref<1000000x128xf32, #tpu.memory_space<hbm>>) target(%arg6 : memref<200x128xf32, #tpu.memory_space<vmem>>) offsets(%dma_start3A_3 : memref<200xi32, #tpu.memory_space<vmem>>) semaphore(%arg10 : memref<!tpu.dma_semaphore, #tpu.memory_space<semaphore_mem>>)
    %dma_start3A_7 = arith.constant 200 : i32
    %dma_start3A_8 = tpu.memref_slice %arg5[%dma_start3A_7] : memref<25600xi32, #tpu.memory_space<vmem>> -> memref<200xi32, #tpu.memory_space<vmem>>
    %dma_start3A_9 = arith.constant 0 : i32
    %dma_start3A_10 = arith.constant 0 : i32
    %dma_start3A_11 = tpu.memref_slice %arg3[%dma_start3A_9, %dma_start3A_10] : memref<1000000x128xf32, #tpu.memory_space<hbm>> -> memref<1000000x128xf32, #tpu.memory_space<hbm>>
    tpu.enqueue_indirect_dma source(%dma_start3A_11 : memref<1000000x128xf32, #tpu.memory_space<hbm>>) target(%arg7 : memref<200x128xf32, #tpu.memory_space<vmem>>) offsets(%dma_start3A_8 : memref<200xi32, #tpu.memory_space<vmem>>) semaphore(%arg11 : memref<!tpu.dma_semaphore, #tpu.memory_space<semaphore_mem>>)
    %dma_start3A_12 = arith.constant 400 : i32
    %dma_start3A_13 = tpu.memref_slice %arg5[%dma_start3A_12] : memref<25600xi32, #tpu.memory_space<vmem>> -> memref<200xi32, #tpu.memory_space<vmem>>
    %dma_start3A_14 = arith.constant 0 : i32
    %dma_start3A_15 = arith.constant 0 : i32
    %dma_start3A_16 = tpu.memref_slice %arg3[%dma_start3A_14, %dma_start3A_15] : memref<1000000x128xf32, #tpu.memory_space<hbm>> -> memref<1000000x128xf32, #tpu.memory_space<hbm>>
    tpu.enqueue_indirect_dma source(%dma_start3A_16 : memref<1000000x128xf32, #tpu.memory_space<hbm>>) target(%arg8 : memref<200x128xf32, #tpu.memory_space<vmem>>) offsets(%dma_start3A_13 : memref<200xi32, #tpu.memory_space<vmem>>) semaphore(%arg12 : memref<!tpu.dma_semaphore, #tpu.memory_space<semaphore_mem>>)
    %dma_start3A_17 = arith.constant 600 : i32
    %dma_start3A_18 = tpu.memref_slice %arg5[%dma_start3A_17] : memref<25600xi32, #tpu.memory_space<vmem>> -> memref<200xi32, #tpu.memory_space<vmem>>
    %dma_start3A_19 = arith.constant 0 : i32
    %dma_start3A_20 = arith.constant 0 : i32
    %dma_start3A_21 = tpu.memref_slice %arg3[%dma_start3A_19, %dma_start3A_20] : memref<1000000x128xf32, #tpu.memory_space<hbm>> -> memref<1000000x128xf32, #tpu.memory_space<hbm>>
    tpu.enqueue_indirect_dma source(%dma_start3A_21 : memref<1000000x128xf32, #tpu.memory_space<hbm>>) target(%arg9 : memref<200x128xf32, #tpu.memory_space<vmem>>) offsets(%dma_start3A_18 : memref<200xi32, #tpu.memory_space<vmem>>) semaphore(%arg13 : memref<!tpu.dma_semaphore, #tpu.memory_space<semaphore_mem>>)
    %scan3A = arith.constant 0 : i32
    %scan3A_22 = arith.constant 0 : i32
    %scan3A_23 = arith.constant 32 : i32
    %scan3A_24 = arith.addi %scan3A_22, %scan3A_23 : i32
    %scan3A_25 = arith.constant 1 : i32
    scf.for %scan3A_50 = %scan3A_22 to %scan3A_24 step %scan3A_25  : i32 {
      %mul3A_51 = arith.constant 4 : i32
      %mul3A_52 = arith.muli %scan3A_50, %mul3A_51 : i32
      %add3A_53 = arith.constant 0 : i32
      %add3A_54 = arith.addi %mul3A_52, %add3A_53 : i32
      %mul3A_55 = arith.constant 200 : i32
      %mul3A_56 = arith.muli %add3A_54, %mul3A_55 : i32
      %dma_wait3A_57 = tpu.memref_slice %arg5[%mul3A_56] : memref<25600xi32, #tpu.memory_space<vmem>> -> memref<200xi32, #tpu.memory_space<vmem>>
      %dma_wait3A_58 = arith.constant 0 : i32
      %dma_wait3A_59 = arith.constant 0 : i32
      %dma_wait3A_60 = tpu.memref_slice %arg3[%dma_wait3A_58, %dma_wait3A_59] : memref<1000000x128xf32, #tpu.memory_space<hbm>> -> memref<1000000x128xf32, #tpu.memory_space<hbm>>
      tpu.wait_indirect_dma semaphore(%arg10 : memref<!tpu.dma_semaphore, #tpu.memory_space<semaphore_mem>>) src(%dma_wait3A_60 : memref<1000000x128xf32, #tpu.memory_space<hbm>>) dst(%arg6 : memref<200x128xf32, #tpu.memory_space<vmem>>)
      %scan3A_61 = arith.constant 0 : i32
      %scan3A_62 = arith.constant 0 : i32
      %scan3A_63 = arith.constant 200 : i32
      %scan3A_64 = arith.addi %scan3A_62, %scan3A_63 : i32
      %scan3A_65 = arith.constant 2 : i32
      scf.for %scan3A_184 = %scan3A_62 to %scan3A_64 step %scan3A_65  : i32 {
        %get3A = arith.index_cast %scan3A_184 : i32 to index
        %get3A_185 = arith.constant 0 : index
        %get3A_186 = tpu.vector_load %arg6[%get3A, %get3A_185] {strides = array<i32>} : memref<200x128xf32, #tpu.memory_space<vmem>>, vector<1x16xf32>,
        %get3A_187 = vector.shape_cast %get3A_186 : vector<1x16xf32> to vector<16xf32>
        %mul3A_188 = arith.constant 8.000000e+00 : f32
        %mul3A_189 = vector.broadcast %mul3A_188 : f32 to vector<16xf32>
        %mul3A_190 = arith.mulf %get3A_187, %mul3A_189 : vector<16xf32>
        %swap3A = arith.index_cast %scan3A_184 : i32 to index
        %swap3A_191 = arith.constant 0 : index
        %swap3A_192 = tpu.vector_load %arg6[%swap3A, %swap3A_191] {strides = array<i32>} : memref<200x128xf32, #tpu.memory_space<vmem>>, vector<1x16xf32>,
        %swap3A_193 = vector.shape_cast %swap3A_192 : vector<1x16xf32> to vector<16xf32>
        %swap3A_194 = vector.shape_cast %mul3A_190 : vector<16xf32> to vector<1x16xf32>
        tpu.vector_store %arg6[%swap3A, %swap3A_191], %swap3A_194 {strides = array<i32>} : memref<200x128xf32, #tpu.memory_space<vmem>>, vector<1x16xf32>,
        %get3A_195 = arith.index_cast %scan3A_184 : i32 to index
        %get3A_196 = arith.constant 16 : index
        %get3A_197 = tpu.vector_load %arg6[%get3A_195, %get3A_196] {strides = array<i32>} : memref<200x128xf32, #tpu.memory_space<vmem>>, vector<1x16xf32>,
        %get3A_198 = vector.shape_cast %get3A_197 : vector<1x16xf32> to vector<16xf32>
        %mul3A_199 = arith.constant 8.000000e+00 : f32
        %mul3A_200 = vector.broadcast %mul3A_199 : f32 to vector<16xf32>
        %mul3A_201 = arith.mulf %get3A_198, %mul3A_200 : vector<16xf32>
        %swap3A_202 = arith.index_cast %scan3A_184 : i32 to index
        %swap3A_203 = arith.constant 16 : index
        %swap3A_204 = tpu.vector_load %arg6[%swap3A_202, %swap3A_203] {strides = array<i32>} : memref<200x128xf32, #tpu.memory_space<vmem>>, vector<1x16xf32>,
        %swap3A_205 = vector.shape_cast %swap3A_204 : vector<1x16xf32> to vector<16xf32>
        %swap3A_206 = vector.shape_cast %mul3A_201 : vector<16xf32> to vector<1x16xf32>
        tpu.vector_store %arg6[%swap3A_202, %swap3A_203], %swap3A_206 {strides = array<i32>} : memref<200x128xf32, #tpu.memory_space<vmem>>, vector<1x16xf32>,
        %get3A_207 = arith.index_cast %scan3A_184 : i32 to index
        %get3A_208 = arith.constant 32 : index
        %get3A_209 = tpu.vector_load %arg6[%get3A_207, %get3A_208] {strides = array<i32>} : memref<200x128xf32, #tpu.memory_space<vmem>>, vector<1x16xf32>,
        %get3A_210 = vector.shape_cast %get3A_209 : vector<1x16xf32> to vector<16xf32>
        %mul3A_211 = arith.constant 8.000000e+00 : f32
        %mul3A_212 = vector.broadcast %mul3A_211 : f32 to vector<16xf32>
        %mul3A_213 = arith.mulf %get3A_210, %mul3A_212 : vector<16xf32>
        %swap3A_214 = arith.index_cast %scan3A_184 : i32 to index
        %swap3A_215 = arith.constant 32 : index
        %swap3A_216 = tpu.vector_load %arg6[%swap3A_214, %swap3A_215] {strides = array<i32>} : memref<200x128xf32, #tpu.memory_space<vmem>>, vector<1x16xf32>,
        %swap3A_217 = vector.shape_cast %swap3A_216 : vector<1x16xf32> to vector<16xf32>
        %swap3A_218 = vector.shape_cast %mul3A_213 : vector<16xf32> to vector<1x16xf32>
        tpu.vector_store %arg6[%swap3A_214, %swap3A_215], %swap3A_218 {strides = array<i32>} : memref<200x128xf32, #tpu.memory_space<vmem>>, vector<1x16xf32>,
        %get3A_219 = arith.index_cast %scan3A_184 : i32 to index
        %get3A_220 = arith.constant 48 : index
        %get3A_221 = tpu.vector_load %arg6[%get3A_219, %get3A_220] {strides = array<i32>} : memref<200x128xf32, #tpu.memory_space<vmem>>, vector<1x16xf32>,
        %get3A_222 = vector.shape_cast %get3A_221 : vector<1x16xf32> to vector<16xf32>
        %mul3A_223 = arith.constant 8.000000e+00 : f32
        %mul3A_224 = vector.broadcast %mul3A_223 : f32 to vector<16xf32>
        %mul3A_225 = arith.mulf %get3A_222, %mul3A_224 : vector<16xf32>
        %swap3A_226 = arith.index_cast %scan3A_184 : i32 to index
        %swap3A_227 = arith.constant 48 : index
        %swap3A_228 = tpu.vector_load %arg6[%swap3A_226, %swap3A_227] {strides = array<i32>} : memref<200x128xf32, #tpu.memory_space<vmem>>, vector<1x16xf32>,
        %swap3A_229 = vector.shape_cast %swap3A_228 : vector<1x16xf32> to vector<16xf32>
        %swap3A_230 = vector.shape_cast %mul3A_225 : vector<16xf32> to vector<1x16xf32>
        tpu.vector_store %arg6[%swap3A_226, %swap3A_227], %swap3A_230 {strides = array<i32>} : memref<200x128xf32, #tpu.memory_space<vmem>>, vector<1x16xf32>,
        %scan3A_231 = arith.constant 1 : i32
        %scan3A_232 = arith.addi %scan3A_184, %scan3A_231 : i32
        %get3A_233 = arith.index_cast %scan3A_232 : i32 to index
        %get3A_234 = arith.constant 0 : index
        %get3A_235 = tpu.vector_load %arg6[%get3A_233, %get3A_234] {strides = array<i32>} : memref<200x128xf32, #tpu.memory_space<vmem>>, vector<1x16xf32>,
        %get3A_236 = vector.shape_cast %get3A_235 : vector<1x16xf32> to vector<16xf32>
        %mul3A_237 = arith.constant 8.000000e+00 : f32
        %mul3A_238 = vector.broadcast %mul3A_237 : f32 to vector<16xf32>
        %mul3A_239 = arith.mulf %get3A_236, %mul3A_238 : vector<16xf32>
        %swap3A_240 = arith.index_cast %scan3A_232 : i32 to index
        %swap3A_241 = arith.constant 0 : index
        %swap3A_242 = tpu.vector_load %arg6[%swap3A_240, %swap3A_241] {strides = array<i32>} : memref<200x128xf32, #tpu.memory_space<vmem>>, vector<1x16xf32>,
        %swap3A_243 = vector.shape_cast %swap3A_242 : vector<1x16xf32> to vector<16xf32>
        %swap3A_244 = vector.shape_cast %mul3A_239 : vector<16xf32> to vector<1x16xf32>
        tpu.vector_store %arg6[%swap3A_240, %swap3A_241], %swap3A_244 {strides = array<i32>} : memref<200x128xf32, #tpu.memory_space<vmem>>, vector<1x16xf32>,
        %get3A_245 = arith.index_cast %scan3A_232 : i32 to index
        %get3A_246 = arith.constant 16 : index
        %get3A_247 = tpu.vector_load %arg6[%get3A_245, %get3A_246] {strides = array<i32>} : memref<200x128xf32, #tpu.memory_space<vmem>>, vector<1x16xf32>,
        %get3A_248 = vector.shape_cast %get3A_247 : vector<1x16xf32> to vector<16xf32>
        %mul3A_249 = arith.constant 8.000000e+00 : f32
        %mul3A_250 = vector.broadcast %mul3A_249 : f32 to vector<16xf32>
        %mul3A_251 = arith.mulf %get3A_248, %mul3A_250 : vector<16xf32>
        %swap3A_252 = arith.index_cast %scan3A_232 : i32 to index
        %swap3A_253 = arith.constant 16 : index
        %swap3A_254 = tpu.vector_load %arg6[%swap3A_252, %swap3A_253] {strides = array<i32>} : memref<200x128xf32, #tpu.memory_space<vmem>>, vector<1x16xf32>,
        %swap3A_255 = vector.shape_cast %swap3A_254 : vector<1x16xf32> to vector<16xf32>
        %swap3A_256 = vector.shape_cast %mul3A_251 : vector<16xf32> to vector<1x16xf32>
        tpu.vector_store %arg6[%swap3A_252, %swap3A_253], %swap3A_256 {strides = array<i32>} : memref<200x128xf32, #tpu.memory_space<vmem>>, vector<1x16xf32>,
        %get3A_257 = arith.index_cast %scan3A_232 : i32 to index
        %get3A_258 = arith.constant 32 : index
        %get3A_259 = tpu.vector_load %arg6[%get3A_257, %get3A_258] {strides = array<i32>} : memref<200x128xf32, #tpu.memory_space<vmem>>, vector<1x16xf32>,
        %get3A_260 = vector.shape_cast %get3A_259 : vector<1x16xf32> to vector<16xf32>
        %mul3A_261 = arith.constant 8.000000e+00 : f32
        %mul3A_262 = vector.broadcast %mul3A_261 : f32 to vector<16xf32>
        %mul3A_263 = arith.mulf %get3A_260, %mul3A_262 : vector<16xf32>
        %swap3A_264 = arith.index_cast %scan3A_232 : i32 to index
        %swap3A_265 = arith.constant 32 : index
        %swap3A_266 = tpu.vector_load %arg6[%swap3A_264, %swap3A_265] {strides = array<i32>} : memref<200x128xf32, #tpu.memory_space<vmem>>, vector<1x16xf32>,
        %swap3A_267 = vector.shape_cast %swap3A_266 : vector<1x16xf32> to vector<16xf32>
        %swap3A_268 = vector.shape_cast %mul3A_263 : vector<16xf32> to vector<1x16xf32>
        tpu.vector_store %arg6[%swap3A_264, %swap3A_265], %swap3A_268 {strides = array<i32>} : memref<200x128xf32, #tpu.memory_space<vmem>>, vector<1x16xf32>,
        %get3A_269 = arith.index_cast %scan3A_232 : i32 to index
        %get3A_270 = arith.constant 48 : index
        %get3A_271 = tpu.vector_load %arg6[%get3A_269, %get3A_270] {strides = array<i32>} : memref<200x128xf32, #tpu.memory_space<vmem>>, vector<1x16xf32>,
        %get3A_272 = vector.shape_cast %get3A_271 : vector<1x16xf32> to vector<16xf32>
        %mul3A_273 = arith.constant 8.000000e+00 : f32
        %mul3A_274 = vector.broadcast %mul3A_273 : f32 to vector<16xf32>
        %mul3A_275 = arith.mulf %get3A_272, %mul3A_274 : vector<16xf32>
        %swap3A_276 = arith.index_cast %scan3A_232 : i32 to index
        %swap3A_277 = arith.constant 48 : index
        %swap3A_278 = tpu.vector_load %arg6[%swap3A_276, %swap3A_277] {strides = array<i32>} : memref<200x128xf32, #tpu.memory_space<vmem>>, vector<1x16xf32>,
        %swap3A_279 = vector.shape_cast %swap3A_278 : vector<1x16xf32> to vector<16xf32>
        %swap3A_280 = vector.shape_cast %mul3A_275 : vector<16xf32> to vector<1x16xf32>
        tpu.vector_store %arg6[%swap3A_276, %swap3A_277], %swap3A_280 {strides = array<i32>} : memref<200x128xf32, #tpu.memory_space<vmem>>, vector<1x16xf32>,
      }
      %scan3A_66 = arith.constant 200 : i32
      %add3A_67 = arith.addi %mul3A_2, %mul3A_56 : i32
      %dma_start3A_68 = arith.constant 0 : i32
      %dma_start3A_69 = tpu.memref_slice %arg4[%add3A_67, %dma_start3A_68] : memref<819200x128xf32, #tpu.memory_space<hbm>> -> memref<200x128xf32, #tpu.memory_space<hbm>>
      %dma_start3A_70 = arith.constant 0 : i32
      %dma_start3A_71 = tpu.memref_slice %arg4[%add3A_67, %dma_start3A_70] : memref<819200x128xf32, #tpu.memory_space<hbm>> -> memref<200x128xf32, #tpu.memory_space<hbm>>
      tpu.enqueue_dma source(%arg6 : memref<200x128xf32, #tpu.memory_space<vmem>>) target(%dma_start3A_71 : memref<200x128xf32, #tpu.memory_space<hbm>>) target_semaphore(%arg14 : memref<!tpu.dma_semaphore, #tpu.memory_space<semaphore_mem>>)
      %add3A_72 = arith.constant 800 : i32
      %add3A_73 = arith.addi %mul3A_56, %add3A_72 : i32
      %mul3A_74 = arith.constant 4 : i32
      %mul3A_75 = arith.muli %scan3A_50, %mul3A_74 : i32
      %add3A_76 = arith.constant 0 : i32
      %add3A_77 = arith.addi %mul3A_75, %add3A_76 : i32
      %add3A_78 = arith.constant 4 : i32
      %add3A_79 = arith.addi %add3A_77, %add3A_78 : i32
      %lt3A = arith.constant 128 : i32
      %lt3A_80 = arith.cmpi slt, %add3A_79, %lt3A : i32
      %convert_element_type3A = arith.extui %lt3A_80 : i1 to i32
      %cond3A = arith.constant 0 : i32
      %cond3A_81 = arith.cmpi ne, %convert_element_type3A, %cond3A : i32
      scf.if %cond3A_81 {
        %add3A_184 = arith.addi %mul3A_2, %mul3A_56 : i32
        %dma_wait3A_185 = arith.constant 0 : i32
        %dma_wait3A_186 = tpu.memref_slice %arg4[%add3A_184, %dma_wait3A_185] : memref<819200x128xf32, #tpu.memory_space<hbm>> -> memref<200x128xf32, #tpu.memory_space<hbm>>
        %dma_wait3A_187 = arith.constant 0 : i32
        %dma_wait3A_188 = tpu.memref_slice %arg4[%add3A_184, %dma_wait3A_187] : memref<819200x128xf32, #tpu.memory_space<hbm>> -> memref<200x128xf32, #tpu.memory_space<hbm>>
        tpu.wait_dma2 semaphore(%arg14 : memref<!tpu.dma_semaphore, #tpu.memory_space<semaphore_mem>>) src(%arg6 : memref<200x128xf32, #tpu.memory_space<vmem>>) dst(%dma_wait3A_188 : memref<200x128xf32, #tpu.memory_space<hbm>>)
        %dma_start3A_189 = tpu.memref_slice %arg5[%add3A_73] : memref<25600xi32, #tpu.memory_space<vmem>> -> memref<200xi32, #tpu.memory_space<vmem>>
        %dma_start3A_190 = arith.constant 0 : i32
        %dma_start3A_191 = arith.constant 0 : i32
        %dma_start3A_192 = tpu.memref_slice %arg3[%dma_start3A_190, %dma_start3A_191] : memref<1000000x128xf32, #tpu.memory_space<hbm>> -> memref<1000000x128xf32, #tpu.memory_space<hbm>>
        tpu.enqueue_indirect_dma source(%dma_start3A_192 : memref<1000000x128xf32, #tpu.memory_space<hbm>>) target(%arg6 : memref<200x128xf32, #tpu.memory_space<vmem>>) offsets(%dma_start3A_189 : memref<200xi32, #tpu.memory_space<vmem>>) semaphore(%arg10 : memref<!tpu.dma_semaphore, #tpu.memory_space<semaphore_mem>>)
      } else {
      }
      %mul3A_82 = arith.constant 4 : i32
      %mul3A_83 = arith.muli %scan3A_50, %mul3A_82 : i32
      %add3A_84 = arith.constant 1 : i32
      %add3A_85 = arith.addi %mul3A_83, %add3A_84 : i32
      %mul3A_86 = arith.constant 200 : i32
      %mul3A_87 = arith.muli %add3A_85, %mul3A_86 : i32
      %dma_wait3A_88 = tpu.memref_slice %arg5[%mul3A_87] : memref<25600xi32, #tpu.memory_space<vmem>> -> memref<200xi32, #tpu.memory_space<vmem>>
      %dma_wait3A_89 = arith.constant 0 : i32
      %dma_wait3A_90 = arith.constant 0 : i32
      %dma_wait3A_91 = tpu.memref_slice %arg3[%dma_wait3A_89, %dma_wait3A_90] : memref<1000000x128xf32, #tpu.memory_space<hbm>> -> memref<1000000x128xf32, #tpu.memory_space<hbm>>
      tpu.wait_indirect_dma semaphore(%arg11 : memref<!tpu.dma_semaphore, #tpu.memory_space<semaphore_mem>>) src(%dma_wait3A_91 : memref<1000000x128xf32, #tpu.memory_space<hbm>>) dst(%arg7 : memref<200x128xf32, #tpu.memory_space<vmem>>)
      %scan3A_92 = arith.constant 0 : i32
      %scan3A_93 = arith.constant 0 : i32
      %scan3A_94 = arith.constant 200 : i32
      %scan3A_95 = arith.addi %scan3A_93, %scan3A_94 : i32
      %scan3A_96 = arith.constant 2 : i32
      scf.for %scan3A_184 = %scan3A_93 to %scan3A_95 step %scan3A_96  : i32 {
        %get3A = arith.index_cast %scan3A_184 : i32 to index
        %get3A_185 = arith.constant 0 : index
        %get3A_186 = tpu.vector_load %arg7[%get3A, %get3A_185] {strides = array<i32>} : memref<200x128xf32, #tpu.memory_space<vmem>>, vector<1x16xf32>,
        %get3A_187 = vector.shape_cast %get3A_186 : vector<1x16xf32> to vector<16xf32>
        %mul3A_188 = arith.constant 8.000000e+00 : f32
        %mul3A_189 = vector.broadcast %mul3A_188 : f32 to vector<16xf32>
        %mul3A_190 = arith.mulf %get3A_187, %mul3A_189 : vector<16xf32>
        %swap3A = arith.index_cast %scan3A_184 : i32 to index
        %swap3A_191 = arith.constant 0 : index
        %swap3A_192 = tpu.vector_load %arg7[%swap3A, %swap3A_191] {strides = array<i32>} : memref<200x128xf32, #tpu.memory_space<vmem>>, vector<1x16xf32>,
        %swap3A_193 = vector.shape_cast %swap3A_192 : vector<1x16xf32> to vector<16xf32>
        %swap3A_194 = vector.shape_cast %mul3A_190 : vector<16xf32> to vector<1x16xf32>
        tpu.vector_store %arg7[%swap3A, %swap3A_191], %swap3A_194 {strides = array<i32>} : memref<200x128xf32, #tpu.memory_space<vmem>>, vector<1x16xf32>,
        %get3A_195 = arith.index_cast %scan3A_184 : i32 to index
        %get3A_196 = arith.constant 16 : index
        %get3A_197 = tpu.vector_load %arg7[%get3A_195, %get3A_196] {strides = array<i32>} : memref<200x128xf32, #tpu.memory_space<vmem>>, vector<1x16xf32>,
        %get3A_198 = vector.shape_cast %get3A_197 : vector<1x16xf32> to vector<16xf32>
        %mul3A_199 = arith.constant 8.000000e+00 : f32
        %mul3A_200 = vector.broadcast %mul3A_199 : f32 to vector<16xf32>
        %mul3A_201 = arith.mulf %get3A_198, %mul3A_200 : vector<16xf32>
        %swap3A_202 = arith.index_cast %scan3A_184 : i32 to index
        %swap3A_203 = arith.constant 16 : index
        %swap3A_204 = tpu.vector_load %arg7[%swap3A_202, %swap3A_203] {strides = array<i32>} : memref<200x128xf32, #tpu.memory_space<vmem>>, vector<1x16xf32>,
        %swap3A_205 = vector.shape_cast %swap3A_204 : vector<1x16xf32> to vector<16xf32>
        %swap3A_206 = vector.shape_cast %mul3A_201 : vector<16xf32> to vector<1x16xf32>
        tpu.vector_store %arg7[%swap3A_202, %swap3A_203], %swap3A_206 {strides = array<i32>} : memref<200x128xf32, #tpu.memory_space<vmem>>, vector<1x16xf32>,
        %get3A_207 = arith.index_cast %scan3A_184 : i32 to index
        %get3A_208 = arith.constant 32 : index
        %get3A_209 = tpu.vector_load %arg7[%get3A_207, %get3A_208] {strides = array<i32>} : memref<200x128xf32, #tpu.memory_space<vmem>>, vector<1x16xf32>,
        %get3A_210 = vector.shape_cast %get3A_209 : vector<1x16xf32> to vector<16xf32>
        %mul3A_211 = arith.constant 8.000000e+00 : f32
        %mul3A_212 = vector.broadcast %mul3A_211 : f32 to vector<16xf32>
        %mul3A_213 = arith.mulf %get3A_210, %mul3A_212 : vector<16xf32>
        %swap3A_214 = arith.index_cast %scan3A_184 : i32 to index
        %swap3A_215 = arith.constant 32 : index
        %swap3A_216 = tpu.vector_load %arg7[%swap3A_214, %swap3A_215] {strides = array<i32>} : memref<200x128xf32, #tpu.memory_space<vmem>>, vector<1x16xf32>,
        %swap3A_217 = vector.shape_cast %swap3A_216 : vector<1x16xf32> to vector<16xf32>
        %swap3A_218 = vector.shape_cast %mul3A_213 : vector<16xf32> to vector<1x16xf32>
        tpu.vector_store %arg7[%swap3A_214, %swap3A_215], %swap3A_218 {strides = array<i32>} : memref<200x128xf32, #tpu.memory_space<vmem>>, vector<1x16xf32>,
        %get3A_219 = arith.index_cast %scan3A_184 : i32 to index
        %get3A_220 = arith.constant 48 : index
        %get3A_221 = tpu.vector_load %arg7[%get3A_219, %get3A_220] {strides = array<i32>} : memref<200x128xf32, #tpu.memory_space<vmem>>, vector<1x16xf32>,
        %get3A_222 = vector.shape_cast %get3A_221 : vector<1x16xf32> to vector<16xf32>
        %mul3A_223 = arith.constant 8.000000e+00 : f32
        %mul3A_224 = vector.broadcast %mul3A_223 : f32 to vector<16xf32>
        %mul3A_225 = arith.mulf %get3A_222, %mul3A_224 : vector<16xf32>
        %swap3A_226 = arith.index_cast %scan3A_184 : i32 to index
        %swap3A_227 = arith.constant 48 : index
        %swap3A_228 = tpu.vector_load %arg7[%swap3A_226, %swap3A_227] {strides = array<i32>} : memref<200x128xf32, #tpu.memory_space<vmem>>, vector<1x16xf32>,
        %swap3A_229 = vector.shape_cast %swap3A_228 : vector<1x16xf32> to vector<16xf32>
        %swap3A_230 = vector.shape_cast %mul3A_225 : vector<16xf32> to vector<1x16xf32>
        tpu.vector_store %arg7[%swap3A_226, %swap3A_227], %swap3A_230 {strides = array<i32>} : memref<200x128xf32, #tpu.memory_space<vmem>>, vector<1x16xf32>,
        %scan3A_231 = arith.constant 1 : i32
        %scan3A_232 = arith.addi %scan3A_184, %scan3A_231 : i32
        %get3A_233 = arith.index_cast %scan3A_232 : i32 to index
        %get3A_234 = arith.constant 0 : index
        %get3A_235 = tpu.vector_load %arg7[%get3A_233, %get3A_234] {strides = array<i32>} : memref<200x128xf32, #tpu.memory_space<vmem>>, vector<1x16xf32>,
        %get3A_236 = vector.shape_cast %get3A_235 : vector<1x16xf32> to vector<16xf32>
        %mul3A_237 = arith.constant 8.000000e+00 : f32
        %mul3A_238 = vector.broadcast %mul3A_237 : f32 to vector<16xf32>
        %mul3A_239 = arith.mulf %get3A_236, %mul3A_238 : vector<16xf32>
        %swap3A_240 = arith.index_cast %scan3A_232 : i32 to index
        %swap3A_241 = arith.constant 0 : index
        %swap3A_242 = tpu.vector_load %arg7[%swap3A_240, %swap3A_241] {strides = array<i32>} : memref<200x128xf32, #tpu.memory_space<vmem>>, vector<1x16xf32>,
        %swap3A_243 = vector.shape_cast %swap3A_242 : vector<1x16xf32> to vector<16xf32>
        %swap3A_244 = vector.shape_cast %mul3A_239 : vector<16xf32> to vector<1x16xf32>
        tpu.vector_store %arg7[%swap3A_240, %swap3A_241], %swap3A_244 {strides = array<i32>} : memref<200x128xf32, #tpu.memory_space<vmem>>, vector<1x16xf32>,
        %get3A_245 = arith.index_cast %scan3A_232 : i32 to index
        %get3A_246 = arith.constant 16 : index
        %get3A_247 = tpu.vector_load %arg7[%get3A_245, %get3A_246] {strides = array<i32>} : memref<200x128xf32, #tpu.memory_space<vmem>>, vector<1x16xf32>,
        %get3A_248 = vector.shape_cast %get3A_247 : vector<1x16xf32> to vector<16xf32>
        %mul3A_249 = arith.constant 8.000000e+00 : f32
        %mul3A_250 = vector.broadcast %mul3A_249 : f32 to vector<16xf32>
        %mul3A_251 = arith.mulf %get3A_248, %mul3A_250 : vector<16xf32>
        %swap3A_252 = arith.index_cast %scan3A_232 : i32 to index
        %swap3A_253 = arith.constant 16 : index
        %swap3A_254 = tpu.vector_load %arg7[%swap3A_252, %swap3A_253] {strides = array<i32>} : memref<200x128xf32, #tpu.memory_space<vmem>>, vector<1x16xf32>,
        %swap3A_255 = vector.shape_cast %swap3A_254 : vector<1x16xf32> to vector<16xf32>
        %swap3A_256 = vector.shape_cast %mul3A_251 : vector<16xf32> to vector<1x16xf32>
        tpu.vector_store %arg7[%swap3A_252, %swap3A_253], %swap3A_256 {strides = array<i32>} : memref<200x128xf32, #tpu.memory_space<vmem>>, vector<1x16xf32>,
        %get3A_257 = arith.index_cast %scan3A_232 : i32 to index
        %get3A_258 = arith.constant 32 : index
        %get3A_259 = tpu.vector_load %arg7[%get3A_257, %get3A_258] {strides = array<i32>} : memref<200x128xf32, #tpu.memory_space<vmem>>, vector<1x16xf32>,
        %get3A_260 = vector.shape_cast %get3A_259 : vector<1x16xf32> to vector<16xf32>
        %mul3A_261 = arith.constant 8.000000e+00 : f32
        %mul3A_262 = vector.broadcast %mul3A_261 : f32 to vector<16xf32>
        %mul3A_263 = arith.mulf %get3A_260, %mul3A_262 : vector<16xf32>
        %swap3A_264 = arith.index_cast %scan3A_232 : i32 to index
        %swap3A_265 = arith.constant 32 : index
        %swap3A_266 = tpu.vector_load %arg7[%swap3A_264, %swap3A_265] {strides = array<i32>} : memref<200x128xf32, #tpu.memory_space<vmem>>, vector<1x16xf32>,
        %swap3A_267 = vector.shape_cast %swap3A_266 : vector<1x16xf32> to vector<16xf32>
        %swap3A_268 = vector.shape_cast %mul3A_263 : vector<16xf32> to vector<1x16xf32>
        tpu.vector_store %arg7[%swap3A_264, %swap3A_265], %swap3A_268 {strides = array<i32>} : memref<200x128xf32, #tpu.memory_space<vmem>>, vector<1x16xf32>,
        %get3A_269 = arith.index_cast %scan3A_232 : i32 to index
        %get3A_270 = arith.constant 48 : index
        %get3A_271 = tpu.vector_load %arg7[%get3A_269, %get3A_270] {strides = array<i32>} : memref<200x128xf32, #tpu.memory_space<vmem>>, vector<1x16xf32>,
        %get3A_272 = vector.shape_cast %get3A_271 : vector<1x16xf32> to vector<16xf32>
        %mul3A_273 = arith.constant 8.000000e+00 : f32
        %mul3A_274 = vector.broadcast %mul3A_273 : f32 to vector<16xf32>
        %mul3A_275 = arith.mulf %get3A_272, %mul3A_274 : vector<16xf32>
        %swap3A_276 = arith.index_cast %scan3A_232 : i32 to index
        %swap3A_277 = arith.constant 48 : index
        %swap3A_278 = tpu.vector_load %arg7[%swap3A_276, %swap3A_277] {strides = array<i32>} : memref<200x128xf32, #tpu.memory_space<vmem>>, vector<1x16xf32>,
        %swap3A_279 = vector.shape_cast %swap3A_278 : vector<1x16xf32> to vector<16xf32>
        %swap3A_280 = vector.shape_cast %mul3A_275 : vector<16xf32> to vector<1x16xf32>
        tpu.vector_store %arg7[%swap3A_276, %swap3A_277], %swap3A_280 {strides = array<i32>} : memref<200x128xf32, #tpu.memory_space<vmem>>, vector<1x16xf32>,
      }
      %scan3A_97 = arith.constant 200 : i32
      %add3A_98 = arith.addi %mul3A_2, %mul3A_87 : i32
      %dma_start3A_99 = arith.constant 0 : i32
      %dma_start3A_100 = tpu.memref_slice %arg4[%add3A_98, %dma_start3A_99] : memref<819200x128xf32, #tpu.memory_space<hbm>> -> memref<200x128xf32, #tpu.memory_space<hbm>>
      %dma_start3A_101 = arith.constant 0 : i32
      %dma_start3A_102 = tpu.memref_slice %arg4[%add3A_98, %dma_start3A_101] : memref<819200x128xf32, #tpu.memory_space<hbm>> -> memref<200x128xf32, #tpu.memory_space<hbm>>
      tpu.enqueue_dma source(%arg7 : memref<200x128xf32, #tpu.memory_space<vmem>>) target(%dma_start3A_102 : memref<200x128xf32, #tpu.memory_space<hbm>>) target_semaphore(%arg15 : memref<!tpu.dma_semaphore, #tpu.memory_space<semaphore_mem>>)
      %add3A_103 = arith.constant 800 : i32
      %add3A_104 = arith.addi %mul3A_87, %add3A_103 : i32
      %mul3A_105 = arith.constant 4 : i32
      %mul3A_106 = arith.muli %scan3A_50, %mul3A_105 : i32
      %add3A_107 = arith.constant 1 : i32
      %add3A_108 = arith.addi %mul3A_106, %add3A_107 : i32
      %add3A_109 = arith.constant 4 : i32
      %add3A_110 = arith.addi %add3A_108, %add3A_109 : i32
      %lt3A_111 = arith.constant 128 : i32
      %lt3A_112 = arith.cmpi slt, %add3A_110, %lt3A_111 : i32
      %convert_element_type3A_113 = arith.extui %lt3A_112 : i1 to i32
      %cond3A_114 = arith.constant 0 : i32
      %cond3A_115 = arith.cmpi ne, %convert_element_type3A_113, %cond3A_114 : i32
      scf.if %cond3A_115 {
        %add3A_184 = arith.addi %mul3A_2, %mul3A_87 : i32
        %dma_wait3A_185 = arith.constant 0 : i32
        %dma_wait3A_186 = tpu.memref_slice %arg4[%add3A_184, %dma_wait3A_185] : memref<819200x128xf32, #tpu.memory_space<hbm>> -> memref<200x128xf32, #tpu.memory_space<hbm>>
        %dma_wait3A_187 = arith.constant 0 : i32
        %dma_wait3A_188 = tpu.memref_slice %arg4[%add3A_184, %dma_wait3A_187] : memref<819200x128xf32, #tpu.memory_space<hbm>> -> memref<200x128xf32, #tpu.memory_space<hbm>>
        tpu.wait_dma2 semaphore(%arg15 : memref<!tpu.dma_semaphore, #tpu.memory_space<semaphore_mem>>) src(%arg7 : memref<200x128xf32, #tpu.memory_space<vmem>>) dst(%dma_wait3A_188 : memref<200x128xf32, #tpu.memory_space<hbm>>)
        %dma_start3A_189 = tpu.memref_slice %arg5[%add3A_104] : memref<25600xi32, #tpu.memory_space<vmem>> -> memref<200xi32, #tpu.memory_space<vmem>>
        %dma_start3A_190 = arith.constant 0 : i32
        %dma_start3A_191 = arith.constant 0 : i32
        %dma_start3A_192 = tpu.memref_slice %arg3[%dma_start3A_190, %dma_start3A_191] : memref<1000000x128xf32, #tpu.memory_space<hbm>> -> memref<1000000x128xf32, #tpu.memory_space<hbm>>
        tpu.enqueue_indirect_dma source(%dma_start3A_192 : memref<1000000x128xf32, #tpu.memory_space<hbm>>) target(%arg7 : memref<200x128xf32, #tpu.memory_space<vmem>>) offsets(%dma_start3A_189 : memref<200xi32, #tpu.memory_space<vmem>>) semaphore(%arg11 : memref<!tpu.dma_semaphore, #tpu.memory_space<semaphore_mem>>)
      } else {
      }
      %mul3A_116 = arith.constant 4 : i32
      %mul3A_117 = arith.muli %scan3A_50, %mul3A_116 : i32
      %add3A_118 = arith.constant 2 : i32
      %add3A_119 = arith.addi %mul3A_117, %add3A_118 : i32
      %mul3A_120 = arith.constant 200 : i32
      %mul3A_121 = arith.muli %add3A_119, %mul3A_120 : i32
      %dma_wait3A_122 = tpu.memref_slice %arg5[%mul3A_121] : memref<25600xi32, #tpu.memory_space<vmem>> -> memref<200xi32, #tpu.memory_space<vmem>>
      %dma_wait3A_123 = arith.constant 0 : i32
      %dma_wait3A_124 = arith.constant 0 : i32
      %dma_wait3A_125 = tpu.memref_slice %arg3[%dma_wait3A_123, %dma_wait3A_124] : memref<1000000x128xf32, #tpu.memory_space<hbm>> -> memref<1000000x128xf32, #tpu.memory_space<hbm>>
      tpu.wait_indirect_dma semaphore(%arg12 : memref<!tpu.dma_semaphore, #tpu.memory_space<semaphore_mem>>) src(%dma_wait3A_125 : memref<1000000x128xf32, #tpu.memory_space<hbm>>) dst(%arg8 : memref<200x128xf32, #tpu.memory_space<vmem>>)
      %scan3A_126 = arith.constant 0 : i32
      %scan3A_127 = arith.constant 0 : i32
      %scan3A_128 = arith.constant 200 : i32
      %scan3A_129 = arith.addi %scan3A_127, %scan3A_128 : i32
      %scan3A_130 = arith.constant 2 : i32
      scf.for %scan3A_184 = %scan3A_127 to %scan3A_129 step %scan3A_130  : i32 {
        %get3A = arith.index_cast %scan3A_184 : i32 to index
        %get3A_185 = arith.constant 0 : index
        %get3A_186 = tpu.vector_load %arg8[%get3A, %get3A_185] {strides = array<i32>} : memref<200x128xf32, #tpu.memory_space<vmem>>, vector<1x16xf32>,
        %get3A_187 = vector.shape_cast %get3A_186 : vector<1x16xf32> to vector<16xf32>
        %mul3A_188 = arith.constant 8.000000e+00 : f32
        %mul3A_189 = vector.broadcast %mul3A_188 : f32 to vector<16xf32>
        %mul3A_190 = arith.mulf %get3A_187, %mul3A_189 : vector<16xf32>
        %swap3A = arith.index_cast %scan3A_184 : i32 to index
        %swap3A_191 = arith.constant 0 : index
        %swap3A_192 = tpu.vector_load %arg8[%swap3A, %swap3A_191] {strides = array<i32>} : memref<200x128xf32, #tpu.memory_space<vmem>>, vector<1x16xf32>,
        %swap3A_193 = vector.shape_cast %swap3A_192 : vector<1x16xf32> to vector<16xf32>
        %swap3A_194 = vector.shape_cast %mul3A_190 : vector<16xf32> to vector<1x16xf32>
        tpu.vector_store %arg8[%swap3A, %swap3A_191], %swap3A_194 {strides = array<i32>} : memref<200x128xf32, #tpu.memory_space<vmem>>, vector<1x16xf32>,
        %get3A_195 = arith.index_cast %scan3A_184 : i32 to index
        %get3A_196 = arith.constant 16 : index
        %get3A_197 = tpu.vector_load %arg8[%get3A_195, %get3A_196] {strides = array<i32>} : memref<200x128xf32, #tpu.memory_space<vmem>>, vector<1x16xf32>,
        %get3A_198 = vector.shape_cast %get3A_197 : vector<1x16xf32> to vector<16xf32>
        %mul3A_199 = arith.constant 8.000000e+00 : f32
        %mul3A_200 = vector.broadcast %mul3A_199 : f32 to vector<16xf32>
        %mul3A_201 = arith.mulf %get3A_198, %mul3A_200 : vector<16xf32>
        %swap3A_202 = arith.index_cast %scan3A_184 : i32 to index
        %swap3A_203 = arith.constant 16 : index
        %swap3A_204 = tpu.vector_load %arg8[%swap3A_202, %swap3A_203] {strides = array<i32>} : memref<200x128xf32, #tpu.memory_space<vmem>>, vector<1x16xf32>,
        %swap3A_205 = vector.shape_cast %swap3A_204 : vector<1x16xf32> to vector<16xf32>
        %swap3A_206 = vector.shape_cast %mul3A_201 : vector<16xf32> to vector<1x16xf32>
        tpu.vector_store %arg8[%swap3A_202, %swap3A_203], %swap3A_206 {strides = array<i32>} : memref<200x128xf32, #tpu.memory_space<vmem>>, vector<1x16xf32>,
        %get3A_207 = arith.index_cast %scan3A_184 : i32 to index
        %get3A_208 = arith.constant 32 : index
        %get3A_209 = tpu.vector_load %arg8[%get3A_207, %get3A_208] {strides = array<i32>} : memref<200x128xf32, #tpu.memory_space<vmem>>, vector<1x16xf32>,
        %get3A_210 = vector.shape_cast %get3A_209 : vector<1x16xf32> to vector<16xf32>
        %mul3A_211 = arith.constant 8.000000e+00 : f32
        %mul3A_212 = vector.broadcast %mul3A_211 : f32 to vector<16xf32>
        %mul3A_213 = arith.mulf %get3A_210, %mul3A_212 : vector<16xf32>
        %swap3A_214 = arith.index_cast %scan3A_184 : i32 to index
        %swap3A_215 = arith.constant 32 : index
        %swap3A_216 = tpu.vector_load %arg8[%swap3A_214, %swap3A_215] {strides = array<i32>} : memref<200x128xf32, #tpu.memory_space<vmem>>, vector<1x16xf32>,
        %swap3A_217 = vector.shape_cast %swap3A_216 : vector<1x16xf32> to vector<16xf32>
        %swap3A_218 = vector.shape_cast %mul3A_213 : vector<16xf32> to vector<1x16xf32>
        tpu.vector_store %arg8[%swap3A_214, %swap3A_215], %swap3A_218 {strides = array<i32>} : memref<200x128xf32, #tpu.memory_space<vmem>>, vector<1x16xf32>,
        %get3A_219 = arith.index_cast %scan3A_184 : i32 to index
        %get3A_220 = arith.constant 48 : index
        %get3A_221 = tpu.vector_load %arg8[%get3A_219, %get3A_220] {strides = array<i32>} : memref<200x128xf32, #tpu.memory_space<vmem>>, vector<1x16xf32>,
        %get3A_222 = vector.shape_cast %get3A_221 : vector<1x16xf32> to vector<16xf32>
        %mul3A_223 = arith.constant 8.000000e+00 : f32
        %mul3A_224 = vector.broadcast %mul3A_223 : f32 to vector<16xf32>
        %mul3A_225 = arith.mulf %get3A_222, %mul3A_224 : vector<16xf32>
        %swap3A_226 = arith.index_cast %scan3A_184 : i32 to index
        %swap3A_227 = arith.constant 48 : index
        %swap3A_228 = tpu.vector_load %arg8[%swap3A_226, %swap3A_227] {strides = array<i32>} : memref<200x128xf32, #tpu.memory_space<vmem>>, vector<1x16xf32>,
        %swap3A_229 = vector.shape_cast %swap3A_228 : vector<1x16xf32> to vector<16xf32>
        %swap3A_230 = vector.shape_cast %mul3A_225 : vector<16xf32> to vector<1x16xf32>
        tpu.vector_store %arg8[%swap3A_226, %swap3A_227], %swap3A_230 {strides = array<i32>} : memref<200x128xf32, #tpu.memory_space<vmem>>, vector<1x16xf32>,
        %scan3A_231 = arith.constant 1 : i32
        %scan3A_232 = arith.addi %scan3A_184, %scan3A_231 : i32
        %get3A_233 = arith.index_cast %scan3A_232 : i32 to index
        %get3A_234 = arith.constant 0 : index
        %get3A_235 = tpu.vector_load %arg8[%get3A_233, %get3A_234] {strides = array<i32>} : memref<200x128xf32, #tpu.memory_space<vmem>>, vector<1x16xf32>,
        %get3A_236 = vector.shape_cast %get3A_235 : vector<1x16xf32> to vector<16xf32>
        %mul3A_237 = arith.constant 8.000000e+00 : f32
        %mul3A_238 = vector.broadcast %mul3A_237 : f32 to vector<16xf32>
        %mul3A_239 = arith.mulf %get3A_236, %mul3A_238 : vector<16xf32>
        %swap3A_240 = arith.index_cast %scan3A_232 : i32 to index
        %swap3A_241 = arith.constant 0 : index
        %swap3A_242 = tpu.vector_load %arg8[%swap3A_240, %swap3A_241] {strides = array<i32>} : memref<200x128xf32, #tpu.memory_space<vmem>>, vector<1x16xf32>,
        %swap3A_243 = vector.shape_cast %swap3A_242 : vector<1x16xf32> to vector<16xf32>
        %swap3A_244 = vector.shape_cast %mul3A_239 : vector<16xf32> to vector<1x16xf32>
        tpu.vector_store %arg8[%swap3A_240, %swap3A_241], %swap3A_244 {strides = array<i32>} : memref<200x128xf32, #tpu.memory_space<vmem>>, vector<1x16xf32>,
        %get3A_245 = arith.index_cast %scan3A_232 : i32 to index
        %get3A_246 = arith.constant 16 : index
        %get3A_247 = tpu.vector_load %arg8[%get3A_245, %get3A_246] {strides = array<i32>} : memref<200x128xf32, #tpu.memory_space<vmem>>, vector<1x16xf32>,
        %get3A_248 = vector.shape_cast %get3A_247 : vector<1x16xf32> to vector<16xf32>
        %mul3A_249 = arith.constant 8.000000e+00 : f32
        %mul3A_250 = vector.broadcast %mul3A_249 : f32 to vector<16xf32>
        %mul3A_251 = arith.mulf %get3A_248, %mul3A_250 : vector<16xf32>
        %swap3A_252 = arith.index_cast %scan3A_232 : i32 to index
        %swap3A_253 = arith.constant 16 : index
        %swap3A_254 = tpu.vector_load %arg8[%swap3A_252, %swap3A_253] {strides = array<i32>} : memref<200x128xf32, #tpu.memory_space<vmem>>, vector<1x16xf32>,
        %swap3A_255 = vector.shape_cast %swap3A_254 : vector<1x16xf32> to vector<16xf32>
        %swap3A_256 = vector.shape_cast %mul3A_251 : vector<16xf32> to vector<1x16xf32>
        tpu.vector_store %arg8[%swap3A_252, %swap3A_253], %swap3A_256 {strides = array<i32>} : memref<200x128xf32, #tpu.memory_space<vmem>>, vector<1x16xf32>,
        %get3A_257 = arith.index_cast %scan3A_232 : i32 to index
        %get3A_258 = arith.constant 32 : index
        %get3A_259 = tpu.vector_load %arg8[%get3A_257, %get3A_258] {strides = array<i32>} : memref<200x128xf32, #tpu.memory_space<vmem>>, vector<1x16xf32>,
        %get3A_260 = vector.shape_cast %get3A_259 : vector<1x16xf32> to vector<16xf32>
        %mul3A_261 = arith.constant 8.000000e+00 : f32
        %mul3A_262 = vector.broadcast %mul3A_261 : f32 to vector<16xf32>
        %mul3A_263 = arith.mulf %get3A_260, %mul3A_262 : vector<16xf32>
        %swap3A_264 = arith.index_cast %scan3A_232 : i32 to index
        %swap3A_265 = arith.constant 32 : index
        %swap3A_266 = tpu.vector_load %arg8[%swap3A_264, %swap3A_265] {strides = array<i32>} : memref<200x128xf32, #tpu.memory_space<vmem>>, vector<1x16xf32>,
        %swap3A_267 = vector.shape_cast %swap3A_266 : vector<1x16xf32> to vector<16xf32>
        %swap3A_268 = vector.shape_cast %mul3A_263 : vector<16xf32> to vector<1x16xf32>
        tpu.vector_store %arg8[%swap3A_264, %swap3A_265], %swap3A_268 {strides = array<i32>} : memref<200x128xf32, #tpu.memory_space<vmem>>, vector<1x16xf32>,
        %get3A_269 = arith.index_cast %scan3A_232 : i32 to index
        %get3A_270 = arith.constant 48 : index
        %get3A_271 = tpu.vector_load %arg8[%get3A_269, %get3A_270] {strides = array<i32>} : memref<200x128xf32, #tpu.memory_space<vmem>>, vector<1x16xf32>,
        %get3A_272 = vector.shape_cast %get3A_271 : vector<1x16xf32> to vector<16xf32>
        %mul3A_273 = arith.constant 8.000000e+00 : f32
        %mul3A_274 = vector.broadcast %mul3A_273 : f32 to vector<16xf32>
        %mul3A_275 = arith.mulf %get3A_272, %mul3A_274 : vector<16xf32>
        %swap3A_276 = arith.index_cast %scan3A_232 : i32 to index
        %swap3A_277 = arith.constant 48 : index
        %swap3A_278 = tpu.vector_load %arg8[%swap3A_276, %swap3A_277] {strides = array<i32>} : memref<200x128xf32, #tpu.memory_space<vmem>>, vector<1x16xf32>,
        %swap3A_279 = vector.shape_cast %swap3A_278 : vector<1x16xf32> to vector<16xf32>
        %swap3A_280 = vector.shape_cast %mul3A_275 : vector<16xf32> to vector<1x16xf32>
        tpu.vector_store %arg8[%swap3A_276, %swap3A_277], %swap3A_280 {strides = array<i32>} : memref<200x128xf32, #tpu.memory_space<vmem>>, vector<1x16xf32>,
      }
      %scan3A_131 = arith.constant 200 : i32
      %add3A_132 = arith.addi %mul3A_2, %mul3A_121 : i32
      %dma_start3A_133 = arith.constant 0 : i32
      %dma_start3A_134 = tpu.memref_slice %arg4[%add3A_132, %dma_start3A_133] : memref<819200x128xf32, #tpu.memory_space<hbm>> -> memref<200x128xf32, #tpu.memory_space<hbm>>
      %dma_start3A_135 = arith.constant 0 : i32
      %dma_start3A_136 = tpu.memref_slice %arg4[%add3A_132, %dma_start3A_135] : memref<819200x128xf32, #tpu.memory_space<hbm>> -> memref<200x128xf32, #tpu.memory_space<hbm>>
      tpu.enqueue_dma source(%arg8 : memref<200x128xf32, #tpu.memory_space<vmem>>) target(%dma_start3A_136 : memref<200x128xf32, #tpu.memory_space<hbm>>) target_semaphore(%arg16 : memref<!tpu.dma_semaphore, #tpu.memory_space<semaphore_mem>>)
      %add3A_137 = arith.constant 800 : i32
      %add3A_138 = arith.addi %mul3A_121, %add3A_137 : i32
      %mul3A_139 = arith.constant 4 : i32
      %mul3A_140 = arith.muli %scan3A_50, %mul3A_139 : i32
      %add3A_141 = arith.constant 2 : i32
      %add3A_142 = arith.addi %mul3A_140, %add3A_141 : i32
      %add3A_143 = arith.constant 4 : i32
      %add3A_144 = arith.addi %add3A_142, %add3A_143 : i32
      %lt3A_145 = arith.constant 128 : i32
      %lt3A_146 = arith.cmpi slt, %add3A_144, %lt3A_145 : i32
      %convert_element_type3A_147 = arith.extui %lt3A_146 : i1 to i32
      %cond3A_148 = arith.constant 0 : i32
      %cond3A_149 = arith.cmpi ne, %convert_element_type3A_147, %cond3A_148 : i32
      scf.if %cond3A_149 {
        %add3A_184 = arith.addi %mul3A_2, %mul3A_121 : i32
        %dma_wait3A_185 = arith.constant 0 : i32
        %dma_wait3A_186 = tpu.memref_slice %arg4[%add3A_184, %dma_wait3A_185] : memref<819200x128xf32, #tpu.memory_space<hbm>> -> memref<200x128xf32, #tpu.memory_space<hbm>>
        %dma_wait3A_187 = arith.constant 0 : i32
        %dma_wait3A_188 = tpu.memref_slice %arg4[%add3A_184, %dma_wait3A_187] : memref<819200x128xf32, #tpu.memory_space<hbm>> -> memref<200x128xf32, #tpu.memory_space<hbm>>
        tpu.wait_dma2 semaphore(%arg16 : memref<!tpu.dma_semaphore, #tpu.memory_space<semaphore_mem>>) src(%arg8 : memref<200x128xf32, #tpu.memory_space<vmem>>) dst(%dma_wait3A_188 : memref<200x128xf32, #tpu.memory_space<hbm>>)
        %dma_start3A_189 = tpu.memref_slice %arg5[%add3A_138] : memref<25600xi32, #tpu.memory_space<vmem>> -> memref<200xi32, #tpu.memory_space<vmem>>
        %dma_start3A_190 = arith.constant 0 : i32
        %dma_start3A_191 = arith.constant 0 : i32
        %dma_start3A_192 = tpu.memref_slice %arg3[%dma_start3A_190, %dma_start3A_191] : memref<1000000x128xf32, #tpu.memory_space<hbm>> -> memref<1000000x128xf32, #tpu.memory_space<hbm>>
        tpu.enqueue_indirect_dma source(%dma_start3A_192 : memref<1000000x128xf32, #tpu.memory_space<hbm>>) target(%arg8 : memref<200x128xf32, #tpu.memory_space<vmem>>) offsets(%dma_start3A_189 : memref<200xi32, #tpu.memory_space<vmem>>) semaphore(%arg12 : memref<!tpu.dma_semaphore, #tpu.memory_space<semaphore_mem>>)
      } else {
      }
      %mul3A_150 = arith.constant 4 : i32
      %mul3A_151 = arith.muli %scan3A_50, %mul3A_150 : i32
      %add3A_152 = arith.constant 3 : i32
      %add3A_153 = arith.addi %mul3A_151, %add3A_152 : i32
      %mul3A_154 = arith.constant 200 : i32
      %mul3A_155 = arith.muli %add3A_153, %mul3A_154 : i32
      %dma_wait3A_156 = tpu.memref_slice %arg5[%mul3A_155] : memref<25600xi32, #tpu.memory_space<vmem>> -> memref<200xi32, #tpu.memory_space<vmem>>
      %dma_wait3A_157 = arith.constant 0 : i32
      %dma_wait3A_158 = arith.constant 0 : i32
      %dma_wait3A_159 = tpu.memref_slice %arg3[%dma_wait3A_157, %dma_wait3A_158] : memref<1000000x128xf32, #tpu.memory_space<hbm>> -> memref<1000000x128xf32, #tpu.memory_space<hbm>>
      tpu.wait_indirect_dma semaphore(%arg13 : memref<!tpu.dma_semaphore, #tpu.memory_space<semaphore_mem>>) src(%dma_wait3A_159 : memref<1000000x128xf32, #tpu.memory_space<hbm>>) dst(%arg9 : memref<200x128xf32, #tpu.memory_space<vmem>>)
      %scan3A_160 = arith.constant 0 : i32
      %scan3A_161 = arith.constant 0 : i32
      %scan3A_162 = arith.constant 200 : i32
      %scan3A_163 = arith.addi %scan3A_161, %scan3A_162 : i32
      %scan3A_164 = arith.constant 2 : i32
      scf.for %scan3A_184 = %scan3A_161 to %scan3A_163 step %scan3A_164  : i32 {
        %get3A = arith.index_cast %scan3A_184 : i32 to index
        %get3A_185 = arith.constant 0 : index
        %get3A_186 = tpu.vector_load %arg9[%get3A, %get3A_185] {strides = array<i32>} : memref<200x128xf32, #tpu.memory_space<vmem>>, vector<1x16xf32>,
        %get3A_187 = vector.shape_cast %get3A_186 : vector<1x16xf32> to vector<16xf32>
        %mul3A_188 = arith.constant 8.000000e+00 : f32
        %mul3A_189 = vector.broadcast %mul3A_188 : f32 to vector<16xf32>
        %mul3A_190 = arith.mulf %get3A_187, %mul3A_189 : vector<16xf32>
        %swap3A = arith.index_cast %scan3A_184 : i32 to index
        %swap3A_191 = arith.constant 0 : index
        %swap3A_192 = tpu.vector_load %arg9[%swap3A, %swap3A_191] {strides = array<i32>} : memref<200x128xf32, #tpu.memory_space<vmem>>, vector<1x16xf32>,
        %swap3A_193 = vector.shape_cast %swap3A_192 : vector<1x16xf32> to vector<16xf32>
        %swap3A_194 = vector.shape_cast %mul3A_190 : vector<16xf32> to vector<1x16xf32>
        tpu.vector_store %arg9[%swap3A, %swap3A_191], %swap3A_194 {strides = array<i32>} : memref<200x128xf32, #tpu.memory_space<vmem>>, vector<1x16xf32>,
        %get3A_195 = arith.index_cast %scan3A_184 : i32 to index
        %get3A_196 = arith.constant 16 : index
        %get3A_197 = tpu.vector_load %arg9[%get3A_195, %get3A_196] {strides = array<i32>} : memref<200x128xf32, #tpu.memory_space<vmem>>, vector<1x16xf32>,
        %get3A_198 = vector.shape_cast %get3A_197 : vector<1x16xf32> to vector<16xf32>
        %mul3A_199 = arith.constant 8.000000e+00 : f32
        %mul3A_200 = vector.broadcast %mul3A_199 : f32 to vector<16xf32>
        %mul3A_201 = arith.mulf %get3A_198, %mul3A_200 : vector<16xf32>
        %swap3A_202 = arith.index_cast %scan3A_184 : i32 to index
        %swap3A_203 = arith.constant 16 : index
        %swap3A_204 = tpu.vector_load %arg9[%swap3A_202, %swap3A_203] {strides = array<i32>} : memref<200x128xf32, #tpu.memory_space<vmem>>, vector<1x16xf32>,
        %swap3A_205 = vector.shape_cast %swap3A_204 : vector<1x16xf32> to vector<16xf32>
        %swap3A_206 = vector.shape_cast %mul3A_201 : vector<16xf32> to vector<1x16xf32>
        tpu.vector_store %arg9[%swap3A_202, %swap3A_203], %swap3A_206 {strides = array<i32>} : memref<200x128xf32, #tpu.memory_space<vmem>>, vector<1x16xf32>,
        %get3A_207 = arith.index_cast %scan3A_184 : i32 to index
        %get3A_208 = arith.constant 32 : index
        %get3A_209 = tpu.vector_load %arg9[%get3A_207, %get3A_208] {strides = array<i32>} : memref<200x128xf32, #tpu.memory_space<vmem>>, vector<1x16xf32>,
        %get3A_210 = vector.shape_cast %get3A_209 : vector<1x16xf32> to vector<16xf32>
        %mul3A_211 = arith.constant 8.000000e+00 : f32
        %mul3A_212 = vector.broadcast %mul3A_211 : f32 to vector<16xf32>
        %mul3A_213 = arith.mulf %get3A_210, %mul3A_212 : vector<16xf32>
        %swap3A_214 = arith.index_cast %scan3A_184 : i32 to index
        %swap3A_215 = arith.constant 32 : index
        %swap3A_216 = tpu.vector_load %arg9[%swap3A_214, %swap3A_215] {strides = array<i32>} : memref<200x128xf32, #tpu.memory_space<vmem>>, vector<1x16xf32>,
        %swap3A_217 = vector.shape_cast %swap3A_216 : vector<1x16xf32> to vector<16xf32>
        %swap3A_218 = vector.shape_cast %mul3A_213 : vector<16xf32> to vector<1x16xf32>
        tpu.vector_store %arg9[%swap3A_214, %swap3A_215], %swap3A_218 {strides = array<i32>} : memref<200x128xf32, #tpu.memory_space<vmem>>, vector<1x16xf32>,
        %get3A_219 = arith.index_cast %scan3A_184 : i32 to index
        %get3A_220 = arith.constant 48 : index
        %get3A_221 = tpu.vector_load %arg9[%get3A_219, %get3A_220] {strides = array<i32>} : memref<200x128xf32, #tpu.memory_space<vmem>>, vector<1x16xf32>,
        %get3A_222 = vector.shape_cast %get3A_221 : vector<1x16xf32> to vector<16xf32>
        %mul3A_223 = arith.constant 8.000000e+00 : f32
        %mul3A_224 = vector.broadcast %mul3A_223 : f32 to vector<16xf32>
        %mul3A_225 = arith.mulf %get3A_222, %mul3A_224 : vector<16xf32>
        %swap3A_226 = arith.index_cast %scan3A_184 : i32 to index
        %swap3A_227 = arith.constant 48 : index
        %swap3A_228 = tpu.vector_load %arg9[%swap3A_226, %swap3A_227] {strides = array<i32>} : memref<200x128xf32, #tpu.memory_space<vmem>>, vector<1x16xf32>,
        %swap3A_229 = vector.shape_cast %swap3A_228 : vector<1x16xf32> to vector<16xf32>
        %swap3A_230 = vector.shape_cast %mul3A_225 : vector<16xf32> to vector<1x16xf32>
        tpu.vector_store %arg9[%swap3A_226, %swap3A_227], %swap3A_230 {strides = array<i32>} : memref<200x128xf32, #tpu.memory_space<vmem>>, vector<1x16xf32>,
        %scan3A_231 = arith.constant 1 : i32
        %scan3A_232 = arith.addi %scan3A_184, %scan3A_231 : i32
        %get3A_233 = arith.index_cast %scan3A_232 : i32 to index
        %get3A_234 = arith.constant 0 : index
        %get3A_235 = tpu.vector_load %arg9[%get3A_233, %get3A_234] {strides = array<i32>} : memref<200x128xf32, #tpu.memory_space<vmem>>, vector<1x16xf32>,
        %get3A_236 = vector.shape_cast %get3A_235 : vector<1x16xf32> to vector<16xf32>
        %mul3A_237 = arith.constant 8.000000e+00 : f32
        %mul3A_238 = vector.broadcast %mul3A_237 : f32 to vector<16xf32>
        %mul3A_239 = arith.mulf %get3A_236, %mul3A_238 : vector<16xf32>
        %swap3A_240 = arith.index_cast %scan3A_232 : i32 to index
        %swap3A_241 = arith.constant 0 : index
        %swap3A_242 = tpu.vector_load %arg9[%swap3A_240, %swap3A_241] {strides = array<i32>} : memref<200x128xf32, #tpu.memory_space<vmem>>, vector<1x16xf32>,
        %swap3A_243 = vector.shape_cast %swap3A_242 : vector<1x16xf32> to vector<16xf32>
        %swap3A_244 = vector.shape_cast %mul3A_239 : vector<16xf32> to vector<1x16xf32>
        tpu.vector_store %arg9[%swap3A_240, %swap3A_241], %swap3A_244 {strides = array<i32>} : memref<200x128xf32, #tpu.memory_space<vmem>>, vector<1x16xf32>,
        %get3A_245 = arith.index_cast %scan3A_232 : i32 to index
        %get3A_246 = arith.constant 16 : index
        %get3A_247 = tpu.vector_load %arg9[%get3A_245, %get3A_246] {strides = array<i32>} : memref<200x128xf32, #tpu.memory_space<vmem>>, vector<1x16xf32>,
        %get3A_248 = vector.shape_cast %get3A_247 : vector<1x16xf32> to vector<16xf32>
        %mul3A_249 = arith.constant 8.000000e+00 : f32
        %mul3A_250 = vector.broadcast %mul3A_249 : f32 to vector<16xf32>
        %mul3A_251 = arith.mulf %get3A_248, %mul3A_250 : vector<16xf32>
        %swap3A_252 = arith.index_cast %scan3A_232 : i32 to index
        %swap3A_253 = arith.constant 16 : index
        %swap3A_254 = tpu.vector_load %arg9[%swap3A_252, %swap3A_253] {strides = array<i32>} : memref<200x128xf32, #tpu.memory_space<vmem>>, vector<1x16xf32>,
        %swap3A_255 = vector.shape_cast %swap3A_254 : vector<1x16xf32> to vector<16xf32>
        %swap3A_256 = vector.shape_cast %mul3A_251 : vector<16xf32> to vector<1x16xf32>
        tpu.vector_store %arg9[%swap3A_252, %swap3A_253], %swap3A_256 {strides = array<i32>} : memref<200x128xf32, #tpu.memory_space<vmem>>, vector<1x16xf32>,
        %get3A_257 = arith.index_cast %scan3A_232 : i32 to index
        %get3A_258 = arith.constant 32 : index
        %get3A_259 = tpu.vector_load %arg9[%get3A_257, %get3A_258] {strides = array<i32>} : memref<200x128xf32, #tpu.memory_space<vmem>>, vector<1x16xf32>,
        %get3A_260 = vector.shape_cast %get3A_259 : vector<1x16xf32> to vector<16xf32>
        %mul3A_261 = arith.constant 8.000000e+00 : f32
        %mul3A_262 = vector.broadcast %mul3A_261 : f32 to vector<16xf32>
        %mul3A_263 = arith.mulf %get3A_260, %mul3A_262 : vector<16xf32>
        %swap3A_264 = arith.index_cast %scan3A_232 : i32 to index
        %swap3A_265 = arith.constant 32 : index
        %swap3A_266 = tpu.vector_load %arg9[%swap3A_264, %swap3A_265] {strides = array<i32>} : memref<200x128xf32, #tpu.memory_space<vmem>>, vector<1x16xf32>,
        %swap3A_267 = vector.shape_cast %swap3A_266 : vector<1x16xf32> to vector<16xf32>
        %swap3A_268 = vector.shape_cast %mul3A_263 : vector<16xf32> to vector<1x16xf32>
        tpu.vector_store %arg9[%swap3A_264, %swap3A_265], %swap3A_268 {strides = array<i32>} : memref<200x128xf32, #tpu.memory_space<vmem>>, vector<1x16xf32>,
        %get3A_269 = arith.index_cast %scan3A_232 : i32 to index
        %get3A_270 = arith.constant 48 : index
        %get3A_271 = tpu.vector_load %arg9[%get3A_269, %get3A_270] {strides = array<i32>} : memref<200x128xf32, #tpu.memory_space<vmem>>, vector<1x16xf32>,
        %get3A_272 = vector.shape_cast %get3A_271 : vector<1x16xf32> to vector<16xf32>
        %mul3A_273 = arith.constant 8.000000e+00 : f32
        %mul3A_274 = vector.broadcast %mul3A_273 : f32 to vector<16xf32>
        %mul3A_275 = arith.mulf %get3A_272, %mul3A_274 : vector<16xf32>
        %swap3A_276 = arith.index_cast %scan3A_232 : i32 to index
        %swap3A_277 = arith.constant 48 : index
        %swap3A_278 = tpu.vector_load %arg9[%swap3A_276, %swap3A_277] {strides = array<i32>} : memref<200x128xf32, #tpu.memory_space<vmem>>, vector<1x16xf32>,
        %swap3A_279 = vector.shape_cast %swap3A_278 : vector<1x16xf32> to vector<16xf32>
        %swap3A_280 = vector.shape_cast %mul3A_275 : vector<16xf32> to vector<1x16xf32>
        tpu.vector_store %arg9[%swap3A_276, %swap3A_277], %swap3A_280 {strides = array<i32>} : memref<200x128xf32, #tpu.memory_space<vmem>>, vector<1x16xf32>,
      }
      %scan3A_165 = arith.constant 200 : i32
      %add3A_166 = arith.addi %mul3A_2, %mul3A_155 : i32
      %dma_start3A_167 = arith.constant 0 : i32
      %dma_start3A_168 = tpu.memref_slice %arg4[%add3A_166, %dma_start3A_167] : memref<819200x128xf32, #tpu.memory_space<hbm>> -> memref<200x128xf32, #tpu.memory_space<hbm>>
      %dma_start3A_169 = arith.constant 0 : i32
      %dma_start3A_170 = tpu.memref_slice %arg4[%add3A_166, %dma_start3A_169] : memref<819200x128xf32, #tpu.memory_space<hbm>> -> memref<200x128xf32, #tpu.memory_space<hbm>>
      tpu.enqueue_dma source(%arg9 : memref<200x128xf32, #tpu.memory_space<vmem>>) target(%dma_start3A_170 : memref<200x128xf32, #tpu.memory_space<hbm>>) target_semaphore(%arg17 : memref<!tpu.dma_semaphore, #tpu.memory_space<semaphore_mem>>)
      %add3A_171 = arith.constant 800 : i32
      %add3A_172 = arith.addi %mul3A_155, %add3A_171 : i32
      %mul3A_173 = arith.constant 4 : i32
      %mul3A_174 = arith.muli %scan3A_50, %mul3A_173 : i32
      %add3A_175 = arith.constant 3 : i32
      %add3A_176 = arith.addi %mul3A_174, %add3A_175 : i32
      %add3A_177 = arith.constant 4 : i32
      %add3A_178 = arith.addi %add3A_176, %add3A_177 : i32
      %lt3A_179 = arith.constant 128 : i32
      %lt3A_180 = arith.cmpi slt, %add3A_178, %lt3A_179 : i32
      %convert_element_type3A_181 = arith.extui %lt3A_180 : i1 to i32
      %cond3A_182 = arith.constant 0 : i32
      %cond3A_183 = arith.cmpi ne, %convert_element_type3A_181, %cond3A_182 : i32
      scf.if %cond3A_183 {
        %add3A_184 = arith.addi %mul3A_2, %mul3A_155 : i32
        %dma_wait3A_185 = arith.constant 0 : i32
        %dma_wait3A_186 = tpu.memref_slice %arg4[%add3A_184, %dma_wait3A_185] : memref<819200x128xf32, #tpu.memory_space<hbm>> -> memref<200x128xf32, #tpu.memory_space<hbm>>
        %dma_wait3A_187 = arith.constant 0 : i32
        %dma_wait3A_188 = tpu.memref_slice %arg4[%add3A_184, %dma_wait3A_187] : memref<819200x128xf32, #tpu.memory_space<hbm>> -> memref<200x128xf32, #tpu.memory_space<hbm>>
        tpu.wait_dma2 semaphore(%arg17 : memref<!tpu.dma_semaphore, #tpu.memory_space<semaphore_mem>>) src(%arg9 : memref<200x128xf32, #tpu.memory_space<vmem>>) dst(%dma_wait3A_188 : memref<200x128xf32, #tpu.memory_space<hbm>>)
        %dma_start3A_189 = tpu.memref_slice %arg5[%add3A_172] : memref<25600xi32, #tpu.memory_space<vmem>> -> memref<200xi32, #tpu.memory_space<vmem>>
        %dma_start3A_190 = arith.constant 0 : i32
        %dma_start3A_191 = arith.constant 0 : i32
        %dma_start3A_192 = tpu.memref_slice %arg3[%dma_start3A_190, %dma_start3A_191] : memref<1000000x128xf32, #tpu.memory_space<hbm>> -> memref<1000000x128xf32, #tpu.memory_space<hbm>>
        tpu.enqueue_indirect_dma source(%dma_start3A_192 : memref<1000000x128xf32, #tpu.memory_space<hbm>>) target(%arg9 : memref<200x128xf32, #tpu.memory_space<vmem>>) offsets(%dma_start3A_189 : memref<200xi32, #tpu.memory_space<vmem>>) semaphore(%arg13 : memref<!tpu.dma_semaphore, #tpu.memory_space<semaphore_mem>>)
      } else {
      }
    }
    %scan3A_26 = arith.constant 32 : i32
    %add3A_27 = arith.constant 24800 : i32
    %add3A_28 = arith.addi %mul3A_2, %add3A_27 : i32
    %dma_wait3A = arith.constant 0 : i32
    %dma_wait3A_29 = tpu.memref_slice %arg4[%add3A_28, %dma_wait3A] : memref<819200x128xf32, #tpu.memory_space<hbm>> -> memref<200x128xf32, #tpu.memory_space<hbm>>
    %dma_wait3A_30 = arith.constant 0 : i32
    %dma_wait3A_31 = tpu.memref_slice %arg4[%add3A_28, %dma_wait3A_30] : memref<819200x128xf32, #tpu.memory_space<hbm>> -> memref<200x128xf32, #tpu.memory_space<hbm>>
    tpu.wait_dma2 semaphore(%arg14 : memref<!tpu.dma_semaphore, #tpu.memory_space<semaphore_mem>>) src(%arg6 : memref<200x128xf32, #tpu.memory_space<vmem>>) dst(%dma_wait3A_31 : memref<200x128xf32, #tpu.memory_space<hbm>>)
    %add3A_32 = arith.constant 25000 : i32
    %add3A_33 = arith.addi %mul3A_2, %add3A_32 : i32
    %dma_wait3A_34 = arith.constant 0 : i32
    %dma_wait3A_35 = tpu.memref_slice %arg4[%add3A_33, %dma_wait3A_34] : memref<819200x128xf32, #tpu.memory_space<hbm>> -> memref<200x128xf32, #tpu.memory_space<hbm>>
    %dma_wait3A_36 = arith.constant 0 : i32
    %dma_wait3A_37 = tpu.memref_slice %arg4[%add3A_33, %dma_wait3A_36] : memref<819200x128xf32, #tpu.memory_space<hbm>> -> memref<200x128xf32, #tpu.memory_space<hbm>>
    tpu.wait_dma2 semaphore(%arg15 : memref<!tpu.dma_semaphore, #tpu.memory_space<semaphore_mem>>) src(%arg7 : memref<200x128xf32, #tpu.memory_space<vmem>>) dst(%dma_wait3A_37 : memref<200x128xf32, #tpu.memory_space<hbm>>)
    %add3A_38 = arith.constant 25200 : i32
    %add3A_39 = arith.addi %mul3A_2, %add3A_38 : i32
    %dma_wait3A_40 = arith.constant 0 : i32
    %dma_wait3A_41 = tpu.memref_slice %arg4[%add3A_39, %dma_wait3A_40] : memref<819200x128xf32, #tpu.memory_space<hbm>> -> memref<200x128xf32, #tpu.memory_space<hbm>>
    %dma_wait3A_42 = arith.constant 0 : i32
    %dma_wait3A_43 = tpu.memref_slice %arg4[%add3A_39, %dma_wait3A_42] : memref<819200x128xf32, #tpu.memory_space<hbm>> -> memref<200x128xf32, #tpu.memory_space<hbm>>
    tpu.wait_dma2 semaphore(%arg16 : memref<!tpu.dma_semaphore, #tpu.memory_space<semaphore_mem>>) src(%arg8 : memref<200x128xf32, #tpu.memory_space<vmem>>) dst(%dma_wait3A_43 : memref<200x128xf32, #tpu.memory_space<hbm>>)
    %add3A_44 = arith.constant 25400 : i32
    %add3A_45 = arith.addi %mul3A_2, %add3A_44 : i32
    %dma_wait3A_46 = arith.constant 0 : i32
    %dma_wait3A_47 = tpu.memref_slice %arg4[%add3A_45, %dma_wait3A_46] : memref<819200x128xf32, #tpu.memory_space<hbm>> -> memref<200x128xf32, #tpu.memory_space<hbm>>
    %dma_wait3A_48 = arith.constant 0 : i32
    %dma_wait3A_49 = tpu.memref_slice %arg4[%add3A_45, %dma_wait3A_48] : memref<819200x128xf32, #tpu.memory_space<hbm>> -> memref<200x128xf32, #tpu.memory_space<hbm>>
    tpu.wait_dma2 semaphore(%arg17 : memref<!tpu.dma_semaphore, #tpu.memory_space<semaphore_mem>>) src(%arg9 : memref<200x128xf32, #tpu.memory_space<vmem>>) dst(%dma_wait3A_49 : memref<200x128xf32, #tpu.memory_space<hbm>>)
    return
  }
}

</mosaic_0001>

<sc_bundles>
// kernel: _emb.3.cloned.1.call-start
scs
__scs_entry_jumppad:
0x0: {  	(pc) =	sbr.rel $0x88, $3  }
0x1: {  	(tag) =	ssettag $0x0;
	lr =	simm.s32 $0x1  }
0x2: {  	[smem:$0x3F9F] =	sst lr;
	_ =	strace $0xD0000000  }
0x3: {  	_ = 	snop  }
0x4: {  	_ = 	snop  }
0x5: {  	_ = 	snop  }
0x6: {  	_ = 	snop  }
0x7: {  	_ = 	snop  }
__scs_overlays_trampoline_lowered:
0x8: {  	[smem:$0x3FAE] =	sst s0  }
0x9: {  	[smem:$0x3FAF] =	sst s1  }
0xa: {  	[smem:$0x3FB0] =	sst s2  }
0xb: {  	[smem:$0x3FB1] =	sst s3  }
0xc: {  	[smem:$0x3FB2] =	sst s4  }
0xd: {  	[smem:$0x3FB3] =	sst s5  }
0xe: {  	[smem:$0x3FB4] =	sst s6  }
0xf: {  	[smem:$0x3FB5] =	sst s7  }
0x10: {  	[smem:$0x3FB6] =	sst s8  }
0x11: {  	[smem:$0x3FB7] =	sst s9;
	s0 =	simm.s32 @!p0 $0x0  }
0x12: {  	s1 =	sld [smem:$0x3F9D];
	s0 =	simm.s32 @p0 $0x1  }
0x13: {  	[smem:$0x3FB8] =	sst s0;
	s0 =	simm.s32 @!p1 $0x0  }
0x14: {  	s2 =	sld [smem:$0x3F9C];
	s0 =	simm.s32 @p1 $0x1  }
0x15: {  	[smem:$0x3FB9] =	sst s0;
	s0 =	simm.s32 @!p2 $0x0  }
0x16: {  	s3 =	sld [smem:$0x3FDB];
	s0 =	simm.s32 @p2 $0x1  }
0x17: {  	s4 =	simm.s32 $0x1BF5;
	[smem:$0x3FBB] =	sst s0  }
0x18: {  	s0 =	sld [smem:$0x3F9E];
	_ =	swait.ge [sflag:s4], $0x0  }
0x19: {  	s7 =	sld [smem:$0x3F9F]  }
0x1a: {  	s8 =	sadd.s32 $0xFFFFE003, lr  }
0x1b: {  	s9 =	sadd.s32 $0xFFFFFEF7, lr;
	s5 =	simm.s32 $0xFFFFFFFF;
	p2 =	slt.u32 s8, $0xFFFFF086  }
0x1c: {  	p1 =	slt.u32 s9, $0xF7A;
	s5 =	simm.s32 @!p2 $0x0  }
0x1d: {  	s5 =	simm.s32 @p1 $0x1;
	p0 =	seq.s32 s7, s2  }
0x1e: {  	s7 =	smul.u32 @!p0 $0xF7A, s2;
	p2 =	seq.s32 @!p0 s5, $0x0  }
0x1f: {  	s9 =	smul.u32 $0xF7A, s1;
	s8 =	simm.s32 @!p0 $0x1BF5;
	p2 =	por !p2, p0  }
0x20: {  	[sflag:s8] =	ssyncset.s32 @!p0 $0xFFFFF086;
	s6 =	sadd.s32 @!p0 s3, s7;
	s7 =	simm.s32 @!p0 $0x108  }
0x21: {  	s3 =	sadd.s32 s3, s9;
	s6 =	sadd.s32 @!p0 $0x88, s6;
	s7 =	simm.s32 @p2 $0x1082  }
0x22: {  	[simem:s7], [sflag:s8] =	dma.local @!p0 [hbm:s6], $0xF7A  }
0x23: {  	s9 =	sor.u32 $0xD0000000, s2;
	s6 =	simm.s32 $0x108;
	_ =	swait.ge @!p0 [sflag:s8], $0x0  }
0x24: {  	s3 =	sadd.s32 $0x88, s3;
	s6 =	simm.s32 @!p1 $0x1082;
	[sflag:s4] =	ssyncset.s32 $0xFFFFF086  }
0x25: {  	[simem:s6], [sflag:s4] =	dma.local [hbm:s3], $0xF7A  }
0x26: {  	[smem:$0x3F9F] =	sst s1;
	(tag) =	ssettag s2;
	_ =	strace s9  }
0x27: {  	s1 =	sld [smem:$0x3FAF]  }
0x28: {  	s2 =	sld [smem:$0x3FB0]  }
0x29: {  	s4 =	sld [smem:$0x3FB2]  }
0x2a: {  	p0 =	seq.s32 s5, $0x0;
	s5 =	sld [smem:$0x3FB3]  }
0x2b: {  	s6 =	sld [smem:$0x3FB4]  }
0x2c: {  	s7 =	sld [smem:$0x3FB5]  }
0x2d: {  	s3 =	simm.s32 $0x108;
	s8 =	sld [smem:$0x3FB6]  }
0x2e: {  	s3 =	simm.s32 @!p0 $0x1082;
	s9 =	sld [smem:$0x3FB7]  }
0x2f: {  	lr =	sadd.s32 s0, s3;
	s0 =	sld [smem:$0x3FAE]  }
0x30: {  	s3 =	sld [smem:$0x3FB1]  }
0x31: {  	[smem:$0x3FBA] =	sst s10  }
0x32: {  	s10 =	sld [smem:$0x3FB8];
	_ =	sdelay $0x3  }
0x33: {  	p0 =	seq.s32 s10, $0x1;
	s10 =	sld [smem:$0x3FBA];
	_ =	sdelay $0x3  }
0x34: {  	[smem:$0x3FBA] =	sst s10  }
0x35: {  	s10 =	sld [smem:$0x3FB9];
	_ =	sdelay $0x3  }
0x36: {  	p1 =	seq.s32 s10, $0x1;
	s10 =	sld [smem:$0x3FBA];
	_ =	sdelay $0x3  }
0x37: {  	[smem:$0x3FBA] =	sst s10  }
0x38: {  	s10 =	sld [smem:$0x3FBB]  }
0x39: {  	_ = 	snop;
	(pc) =	sbr.ind lr, $3  }
0x3a: {  	_ = 	snop  }
0x3b: {  	_ = 	snop  }
0x3c: {  	p2 =	seq.s32 s10, $0x1;
	s10 =	sld [smem:$0x3FBA]  }
0x3d: {  	_ =	shalt  }
0x3e: {  	_ =	shalt  }
0x3f: {  	_ =	shalt  }
0x40: {  	_ =	shalt  }
0x41: {  	_ =	shalt  }
0x42: {  	_ =	shalt  }
0x43: {  	_ =	shalt  }
0x44: {  	_ =	shalt  }
0x45: {  	_ =	shalt  }
0x46: {  	_ =	shalt  }
0x47: {  	_ =	shalt  }
0x48: {  	_ =	shalt  }
0x49: {  	_ =	shalt  }
0x4a: {  	_ =	shalt  }
0x4b: {  	_ =	shalt  }
0x4c: {  	_ =	shalt  }
0x4d: {  	_ =	shalt  }
0x4e: {  	_ =	shalt  }
0x4f: {  	_ =	shalt  }
0x50: {  	_ =	shalt  }
0x51: {  	_ =	shalt  }
0x52: {  	_ =	shalt  }
0x53: {  	_ =	shalt  }
0x54: {  	_ =	shalt  }
0x55: {  	_ =	shalt  }
0x56: {  	_ =	shalt  }
0x57: {  	_ =	shalt  }
0x58: {  	_ =	shalt  }
0x59: {  	_ =	shalt  }
0x5a: {  	_ =	shalt  }
0x5b: {  	_ =	shalt  }
0x5c: {  	_ =	shalt  }
0x5d: {  	_ =	shalt  }
0x5e: {  	_ =	shalt  }
0x5f: {  	_ =	shalt  }
0x60: {  	_ =	shalt  }
0x61: {  	_ =	shalt  }
0x62: {  	_ =	shalt  }
0x63: {  	_ =	shalt  }
0x64: {  	_ =	shalt  }
0x65: {  	_ =	shalt  }
0x66: {  	_ =	shalt  }
0x67: {  	_ =	shalt  }
0x68: {  	_ =	shalt  }
0x69: {  	_ =	shalt  }
0x6a: {  	_ =	shalt  }
0x6b: {  	_ =	shalt  }
0x6c: {  	_ =	shalt  }
0x6d: {  	_ =	shalt  }
0x6e: {  	_ =	shalt  }
0x6f: {  	_ =	shalt  }
0x70: {  	_ =	shalt  }
0x71: {  	_ =	shalt  }
0x72: {  	_ =	shalt  }
0x73: {  	_ =	shalt  }
0x74: {  	_ =	shalt  }
0x75: {  	_ =	shalt  }
0x76: {  	_ =	shalt  }
0x77: {  	_ =	shalt  }
0x78: {  	_ =	shalt  }
0x79: {  	_ =	shalt  }
0x7a: {  	_ =	shalt  }
0x7b: {  	_ =	shalt  }
0x7c: {  	_ =	shalt  }
0x7d: {  	_ =	shalt  }
0x7e: {  	_ =	shalt  }
0x7f: {  	_ =	shalt  }
0x80: {  	_ =	shalt  }
0x81: {  	_ =	shalt  }
0x82: {  	_ =	shalt  }
0x83: {  	_ =	shalt  }
0x84: {  	_ =	shalt  }
0x85: {  	_ =	shalt  }
0x86: {  	_ =	shalt  }
0x87: {  	_ =	shalt  }
.Lfunc_end0:
.L_simem_size_0:
called_computation_lowered:
.L_overlay_start_0:
0x88: {  	s2 =	sld [smem:$0x3FD9]  }
0x89: {  	s3 =	sld [smem:$0x3FFE];
	_ =	sdelay $0x1  }
0x8a: {  	s1 =	srdreg.scid  }
0x8b: {  	s0 =	sand.u32 $0x1, s1  }
0x8c: {  	s18 =	sshll.u32 s0, $0xA;
	s2 =	sadd.s32 s3, s2  }
0x8d: {  	s2 =	sadd.s32 s2, s18  }
0x8e: {  	[smem:$0x3FC6] =	sst s2  }
0x8f: {  	_ = 	snop  }
0x90: {  	s2 =	sld [smem:$0x3FC9]  }
0x91: {  	s19 =	sld [smem:$0x3FC8]  }
0x92: {  	s4 =	sld [smem:$0x3FD0];
	(tm) =	ssettm $0x1  }
0x93: {  	s5 =	sld [smem:$0x3FFB];
	_ =	sdelay $0x3  }
0x94: {  	_ =	strace s5  }
0x95: {  	s5 =	sld [smem:$0x3FFC];
	_ =	sdelay $0x3  }
0x96: {  	_ =	strace s5  }
0x97: {  	s5 =	sld [smem:$0x3FFD];
	_ =	sdelay $0x3  }
0x98: {  	_ =	strace s5  }
0x99: {  	_ =	strace $0x8FFFFFFF  }
0x9a: {  	s20 =	sld [smem:$0x3FDB];
	_ =	sdelay $0x1  }
0x9b: {  	s6 =	simm.s32 $_scs_section_size  }
0x9c: {  	s7 =	simm.s32 $_size__tile_overlayer_lowered;
	s8 =	simm.s32 $_tile_overlayer_lowered  }
0x9d: {  	s23 =	simm.s32 $0x1BFF;
	s22 =	sshll.u32 s8, $0x1;
	s5 =	sadd.s32 s6, s20  }
0x9e: {  	s9 =	simm.s32 $0x0;
	s21 =	sshll.u32 s7, $0x1;
	s7 =	sadd.s32 s22, s5  }
0x9f: {  	[timem:s9], [sflag:s23] =	dma.local [hbm:s7], s21  }
0xa0: {  	_ =	swait.ge [sflag:s23], s21  }
0xa1: {  	s6 =	ssub.s32 $0x0, s21;
	[sflag:s23] =	ssyncset.done $0x0  }
0xa2: {  	[sflag:s23] =	ssyncadd.s32 s6;
	_ =	sdelay $0x1  }
0xa3: {  	s24 =	simm.s32 $0x1B8B  }
0xa4: {  	_ =	swait.ge [sflag:s24], $0x1  }
0xa5: {  	[sflag:s24] =	ssyncset.done $0x0  }
0xa6: {  	s25 =	simm.s32 $0x1B8E;
	[sflag:s24] =	ssyncadd.s32 $0xFFFFFFFF  }
0xa7: {  	s26 =	simm.s32 $execute0_lowered;
	[smem:$0x3FD2] =	sst s25  }
0xa8: {  	s6 =	sshll.u32 s26, $0x1;
	_ =	strace $0x80000046;
	[dreg:$0x1] =	wrdreg $0xFFFFFFFF  }
0xa9: {  	s28 =	simm.s32 $_size_execute0_lowered;
	s5 =	sadd.s32 s5, s6;
	[dreg:$0x0] =	wrdreg $0x0  }
0xaa: {  	s6 =	sshll.u32 s28, $0x1;
	[dreg:$0x2] =	wrdreg s5  }
0xab: {  	[dreg:$0x3] =	wrdreg s6  }
0xac: {  	[dreg:$0x4] =	wrdreg $0xC0  }
0xad: {  	_ =	task [dreg:s9], $0x5FFFF  }
0xae: {  	[dreg:$0x1] =	wrdreg $0xFFFFFFFF  }
0xaf: {  	[dreg:$0x0] =	wrdreg $0x60  }
0xb0: {  	[dreg:$0x2] =	wrdreg s2  }
0xb1: {  	[dreg:$0x3] =	wrdreg s19  }
0xb2: {  	[dreg:$0x4] =	wrdreg s4  }
0xb3: {  	[dreg:$0x5] =	wrdreg $0x9  }
0xb4: {  	_ =	task.clear_ibuf [dreg:s9], $0x6FFFF;
	_ =	strace $0x90000046  }
0xb5: {  	s29 =	simm.s32 $0x9;
	_ =	strace $0x80000048  }
0xb6: {  	_ =	swait.ge [sflag:s29], $0x1  }
0xb7: {  	[sflag:s29] =	ssyncadd.s32 $0xFFFFFFFF  }
0xb8: {  	_ =	strace $0x90000048  }
0xb9: {  	_ =	sfence  }
0xba: {  	s30 =	sld [smem:$0x0];
	_ =	sdelay $0x2  }
0xbb: {  	s31 =	sshll.u32 s1, $0xD;
	s1 =	sshrl.u32 s1, $0x2  }
0xbc: {  	s3 =	sand.u32 $0x4000, s31;
	s1 =	sadd.s32 s1, s30  }
0xbd: {  	s0 =	sor.u32 s3, s0;
	s1 =	sshll.u32 s1, $0x11  }
0xbe: {  	s0 =	sor.u32 s1, s0  }
0xbf: {  	s0 =	sadd.s32 $0x8F2B, s0  }
0xc0: {  	[sflag:s0] =	ssyncadd.remote.s32 $0x1  }
0xc1: {  	_ =	sfence.sel $0xFFFF  }
0xc2: {  	[dreg:$0x0] =	wrdreg $0xFFFFFFFF;
	(pc) =	sbr.abs _section_cstart, $3  }
0xc3: {  	[dreg:$0x1] =	wrdreg $0xFFFFFFFF  }
0xc4: {  	_ =	task.clear_ibuf [dreg:s9], $0x2FFFF;
	_ =	strace $0x9FFFFFFF  }
0xc5: {  	(tm) =	ssettm $0x7FFFFFFF  }
tec
execute0_lowered:
.L_overlay_start_1:
0x0: {  	(tag) =	ssettag $0x1  }
0x1: {  	s0 =	srdreg.scid  }
0x2: {  	s2 =	stileid.u32;
	s1 =	rddreg [dreg:$0x0]  }
0x3: {  	s5 =	simm.s32 $0x0;
	s11 =	simm.s32 $0x9;
	s12 =	simm.s32 $0xC8  }
0x4: {  	s13 =	simm.s32 $0x6400;
	s14 =	simm.s32 $0xC800;
	s15 =	simm.s32 $0x190  }
0x5: {  	s16 =	simm.s32 $0x12C00;
	s17 =	simm.s32 $0x258;
	s18 =	simm.s32 $0x19000  }
0x6: {  	s19 =	simm.s32 $0x1;
	s20 =	simm.s32 $0x2;
	s21 =	simm.s32 $0x3  }
0x7: {  	s22 =	simm.s32 $0x4;
	s23 =	simm.s32 $0x5;
	s24 =	simm.s32 $0x6  }
0x8: {  	s25 =	simm.s32 $0x7;
	s26 =	simm.s32 $0x8;
	s28 =	simm.s32 $0x0  }
0x9: {  	s0 =	sand.u32 $0x1, s0;
	s3 =	sshll.u32 s2, $0x1;
	s2 =	rddreg [dreg:$0x1]  }
.Ltmp0:
0xa: {  	s4 =	sor.u32 s0, s3;
	s0 =	ssub.s32 $0x2, s0;
	(pc) =	sbr.rel .LBB2_1-.Ltmp0, $4  }
0xb: {  	[smem:$0x7FF] =	sst s5;
	s4 =	smul.u32 $0x6400, s4;
	s6 =	sshrl.u32 s0, $0x1  }
0xc: {  	s3 =	rddreg [dreg:$0x2];
	_ =	strace $0x80000047;
	s0 =	ssub.s32 s0, s6  }
0xd: {  	s7 =	sshrl.u32 s4, $0x3;
	s8 =	sor.u32 $0x190, s4;
	s9 =	sor.u32 $0x258, s4  }
0xe: {  	s10 =	smax.u32 s0, $0x1;
	s6 =	sadd.s32 s1, s7;
	s7 =	sor.u32 $0xC8, s4  }
.LBB2_12:
0xf: {  	_ =	swait.ge [sflag:s23], $0x6400  }
0x10: {  	[sflag:s23] =	ssyncset.done $0x0  }
0x11: {  	[sflag:s23] =	ssyncadd.s32 $0xFFFF9C00  }
0x12: {  	_ =	swait.ge [sflag:s24], $0x6400  }
0x13: {  	[sflag:s24] =	ssyncset.done $0x0  }
0x14: {  	s28 =	sadd.s32 $0x1, s28;
	[sflag:s24] =	ssyncadd.s32 $0xFFFF9C00  }
0x15: {  	p0 =	sne.s32 s28, s10;
	_ =	swait.ge [sflag:s25], $0x6400  }
.Ltmp1:
0x16: {  	[sflag:s25] =	ssyncset.done $0x0;
	(pc) =	sbr.rel @!p0 .LBB2_13-.Ltmp1, $4  }
0x17: {  	[sflag:s25] =	ssyncadd.s32 $0xFFFF9C00  }
0x18: {  	_ =	swait.ge [sflag:s26], $0x6400  }
0x19: {  	[sflag:s26] =	ssyncset.done $0x0  }
0x1a: {  	[sflag:s26] =	ssyncadd.s32 $0xFFFF9C00  }
.LBB2_1:
0x1b: {  	[tilespmem:s5], [sflag:$0x9] =	stream.linear.gather [hbm4b:s6+s5], $0x6400, $0x38;
	[tilespmem:$0x1F400] =	vst v63  }
0x1c: {  	_ =	swait.ge [sflag:s11], $0x6400  }
0x1d: {  	[sflag:s11] =	ssyncset.done $0x0  }
0x1e: {  	[sflag:s11] =	ssyncadd.s32 $0xFFFF9C00  }
0x1f: {  	[tilespmem:s13], [sflag:$0x1] =	stream.indirect.gather [hbm4b:s2+s12], $0x80, s5, s12, $0xb8;
	[tilespmem:$0x1F400] =	vst v63  }
0x20: {  	_ = 	snop  }
0x21: {  	[tilespmem:s14], [sflag:$0x2] =	stream.indirect.gather [hbm4b:s2+s12], $0x80, s12, s12, $0xb8;
	[tilespmem:$0x1F400] =	vst v63  }
0x22: {  	_ = 	snop  }
0x23: {  	[tilespmem:s16], [sflag:$0x3] =	stream.indirect.gather [hbm4b:s2+s12], $0x80, s15, s12, $0xb8;
	[tilespmem:$0x1F400] =	vst v63  }
0x24: {  	s29 =	simm.s32 $0x0  }
0x25: {  	[tilespmem:s18], [sflag:$0x4] =	stream.indirect.gather [hbm4b:s2+s12], $0x80, s17, s12, $0xb8;
	[tilespmem:$0x1F400] =	vst v63  }
.LBB2_2:
0x26: {  	_ =	swait.ge [sflag:s19], $0x6400  }
0x27: {  	[sflag:s19] =	ssyncset.done $0x0  }
0x28: {  	s31 =	simm.s32 $0x6480;
	[sflag:s19] =	ssyncadd.s32 $0xFFFF9C00  }
0x29: {  	v0 =	vld [tilespmem:s31+$0xFFFFFFA0]  }
0x2a: {  	v5 =	vld [tilespmem:s31+$0xFFFFFF80]  }
0x2b: {  	v6 =	vld [tilespmem:s31+$0x30]  }
0x2c: {  	v2 =	vld [tilespmem:s31+$0x20]  }
0x2d: {  	v3 =	vld [tilespmem:s31+$0x10]  }
0x2e: {  	v4 =	vld [tilespmem:s31+$0x0];
	v7 =	vmul.f32 $8.000000000e+00, v0  }
0x2f: {  	v1 =	vld [tilespmem:s31+$0xFFFFFFB0];
	v5 =	vmul.f32 $8.000000000e+00, v5  }
0x30: {  	s30 =	simm.s32 $0x0;
	s1 =	simm.s32 $0x6580;
	v0 =	vld [tilespmem:s31+$0xFFFFFF90];
	v6 =	vmul.f32 $8.000000000e+00, v6;
	[tilespmem:s31+$0xFFFFFFA0] =	vst v7  }
.LBB2_3:
0x31: {  	v7 =	vld [tilespmem:s1+$0xFFFFFFA0];
	s30 =	sadd.s32 $0x2, s30;
	[tilespmem:s31+$0xFFFFFF80] =	vst v5;
	v2 =	vmul.f32 $8.000000000e+00, v2  }
0x32: {  	v5 =	vld [tilespmem:s1+$0xFFFFFF80];
	p0 =	slt.u32 s30, $0xC6;
	v3 =	vmul.f32 $8.000000000e+00, v3;
	[tilespmem:s31+$0x30] =	vst v6  }
0x33: {  	v6 =	vld [tilespmem:s1+$0x30];
	v4 =	vmul.f32 $8.000000000e+00, v4;
	[tilespmem:s31+$0x20] =	vst v2  }
.Ltmp2:
0x34: {  	v2 =	vld [tilespmem:s1+$0x20];
	v1 =	vmul.f32 $8.000000000e+00, v1;
	[tilespmem:s31+$0x10] =	vst v3;
	(pc) =	sbr.rel @p0 .LBB2_3-.Ltmp2, $4  }
0x35: {  	v3 =	vld [tilespmem:s1+$0x10];
	v0 =	vmul.f32 $8.000000000e+00, v0;
	[tilespmem:s31+$0x0] =	vst v4  }
0x36: {  	v7 =	vmul.f32 $8.000000000e+00, v7;
	v4 =	vld [tilespmem:s1+$0x0];
	[tilespmem:s31+$0xFFFFFFB0] =	vst v1  }
0x37: {  	v5 =	vmul.f32 $8.000000000e+00, v5;
	v1 =	vld [tilespmem:s1+$0xFFFFFFB0];
	[tilespmem:s31+$0xFFFFFF90] =	vst v0;
	s31 =	smov.u32 s1  }
0x38: {  	s1 =	sadd.s32 $0x100, s1;
	v0 =	vld [tilespmem:s31+$0xFFFFFF90];
	[tilespmem:s31+$0xFFFFFFA0] =	vst v7;
	v6 =	vmul.f32 $8.000000000e+00, v6  }
0x39: {  	[tilespmem:s31+$0xFFFFFF80] =	vst v5;
	v2 =	vmul.f32 $8.000000000e+00, v2  }
0x3a: {  	v3 =	vmul.f32 $8.000000000e+00, v3;
	[tilespmem:s31+$0x30] =	vst v6  }
0x3b: {  	s30 =	smul.u32 $0x320, s29;
	v4 =	vmul.f32 $8.000000000e+00, v4;
	[tilespmem:s31+$0x20] =	vst v2  }
0x3c: {  	v1 =	vmul.f32 $8.000000000e+00, v1;
	[tilespmem:s31+$0x10] =	vst v3  }
0x3d: {  	s0 =	sadd.s32 s4, s30;
	v0 =	vmul.f32 $8.000000000e+00, v0;
	[tilespmem:s31+$0x0] =	vst v4  }
0x3e: {  	s0 =	sshll.u32 s0, $0x4;
	[tilespmem:s31+$0xFFFFFFB0] =	vst v1  }
0x3f: {  	p0 =	seq.s32 s29, $0x1F;
	s0 =	sadd.s32 s3, s0;
	[tilespmem:s31+$0xFFFFFF90] =	vst v0  }
0x40: {  	[hbm4b:s0+s5] =	stream.linear.scatter [tilespmem:s13], [sflag:$0x5], $0x6400, $0x38;
	[tilespmem:$0x1F400] =	vst v63  }
0x41: {  	s0 =	simm.s32 @!p0 $0x5  }
0x42: {  	_ =	swait.ge @!p0 [sflag:s0], $0x6400  }
0x43: {  	s1 =	simm.s32 @!p0 $0xC8;
	[sflag:s0] =	ssyncset.done @!p0 $0x0  }
0x44: {  	s31 =	simm.s32 @!p0 $0x6400;
	[sflag:s0] =	ssyncadd.s32 @!p0 $0xFFFF9C00;
	s0 =	sadd.s32 @!p0 $0x320, s30  }
0x45: {  	[tilespmem:s31], [sflag:$0x1] =	stream.indirect.gather @!p0 [hbm4b:s2+s1], $0x80, s0, s1, $0xb8;
	[tilespmem:$0x1F400] =	vst v63  }
0x46: {  	_ =	swait.ge [sflag:s20], $0x6400  }
0x47: {  	[sflag:s20] =	ssyncset.done $0x0  }
0x48: {  	s31 =	simm.s32 $0xC880;
	[sflag:s20] =	ssyncadd.s32 $0xFFFF9C00  }
0x49: {  	v0 =	vld [tilespmem:s31+$0xFFFFFFA0]  }
0x4a: {  	v5 =	vld [tilespmem:s31+$0xFFFFFF80]  }
0x4b: {  	v6 =	vld [tilespmem:s31+$0x30]  }
0x4c: {  	v2 =	vld [tilespmem:s31+$0x20]  }
0x4d: {  	v3 =	vld [tilespmem:s31+$0x10]  }
0x4e: {  	v4 =	vld [tilespmem:s31+$0x0];
	v7 =	vmul.f32 $8.000000000e+00, v0  }
0x4f: {  	v1 =	vld [tilespmem:s31+$0xFFFFFFB0];
	v5 =	vmul.f32 $8.000000000e+00, v5  }
0x50: {  	s1 =	simm.s32 $0x0;
	s0 =	simm.s32 $0xC980;
	v0 =	vld [tilespmem:s31+$0xFFFFFF90];
	v6 =	vmul.f32 $8.000000000e+00, v6;
	[tilespmem:s31+$0xFFFFFFA0] =	vst v7  }
.LBB2_5:
0x51: {  	v7 =	vld [tilespmem:s0+$0xFFFFFFA0];
	s1 =	sadd.s32 $0x2, s1;
	[tilespmem:s31+$0xFFFFFF80] =	vst v5;
	v2 =	vmul.f32 $8.000000000e+00, v2  }
0x52: {  	v5 =	vld [tilespmem:s0+$0xFFFFFF80];
	p1 =	slt.u32 s1, $0xC6;
	v3 =	vmul.f32 $8.000000000e+00, v3;
	[tilespmem:s31+$0x30] =	vst v6  }
0x53: {  	v6 =	vld [tilespmem:s0+$0x30];
	v4 =	vmul.f32 $8.000000000e+00, v4;
	[tilespmem:s31+$0x20] =	vst v2  }
.Ltmp3:
0x54: {  	v2 =	vld [tilespmem:s0+$0x20];
	v1 =	vmul.f32 $8.000000000e+00, v1;
	[tilespmem:s31+$0x10] =	vst v3;
	(pc) =	sbr.rel @p1 .LBB2_5-.Ltmp3, $4  }
0x55: {  	v3 =	vld [tilespmem:s0+$0x10];
	v0 =	vmul.f32 $8.000000000e+00, v0;
	[tilespmem:s31+$0x0] =	vst v4  }
0x56: {  	v7 =	vmul.f32 $8.000000000e+00, v7;
	v4 =	vld [tilespmem:s0+$0x0];
	[tilespmem:s31+$0xFFFFFFB0] =	vst v1  }
0x57: {  	v5 =	vmul.f32 $8.000000000e+00, v5;
	v1 =	vld [tilespmem:s0+$0xFFFFFFB0];
	[tilespmem:s31+$0xFFFFFF90] =	vst v0;
	s31 =	smov.u32 s0  }
0x58: {  	s0 =	sadd.s32 $0x100, s0;
	v0 =	vld [tilespmem:s31+$0xFFFFFF90];
	[tilespmem:s31+$0xFFFFFFA0] =	vst v7;
	v6 =	vmul.f32 $8.000000000e+00, v6  }
0x59: {  	[tilespmem:s31+$0xFFFFFF80] =	vst v5;
	v2 =	vmul.f32 $8.000000000e+00, v2  }
0x5a: {  	v3 =	vmul.f32 $8.000000000e+00, v3;
	[tilespmem:s31+$0x30] =	vst v6  }
0x5b: {  	v4 =	vmul.f32 $8.000000000e+00, v4;
	[tilespmem:s31+$0x20] =	vst v2  }
0x5c: {  	v1 =	vmul.f32 $8.000000000e+00, v1;
	[tilespmem:s31+$0x10] =	vst v3  }
0x5d: {  	s0 =	sadd.s32 s30, s7;
	v0 =	vmul.f32 $8.000000000e+00, v0;
	[tilespmem:s31+$0x0] =	vst v4  }
0x5e: {  	s0 =	sshll.u32 s0, $0x4;
	[tilespmem:s31+$0xFFFFFFB0] =	vst v1  }
0x5f: {  	s0 =	sadd.s32 s3, s0;
	[tilespmem:s31+$0xFFFFFF90] =	vst v0  }
0x60: {  	[hbm4b:s0+s5] =	stream.linear.scatter [tilespmem:s14], [sflag:$0x6], $0x6400, $0x38;
	[tilespmem:$0x1F400] =	vst v63  }
0x61: {  	s0 =	simm.s32 @!p0 $0x6  }
0x62: {  	_ =	swait.ge @!p0 [sflag:s0], $0x6400  }
0x63: {  	s1 =	simm.s32 @!p0 $0xC8;
	[sflag:s0] =	ssyncset.done @!p0 $0x0  }
0x64: {  	s31 =	simm.s32 @!p0 $0xC800;
	[sflag:s0] =	ssyncadd.s32 @!p0 $0xFFFF9C00;
	s0 =	sadd.s32 @!p0 $0x3E8, s30  }
0x65: {  	[tilespmem:s31], [sflag:$0x2] =	stream.indirect.gather @!p0 [hbm4b:s2+s1], $0x80, s0, s1, $0xb8;
	[tilespmem:$0x1F400] =	vst v63  }
0x66: {  	_ =	swait.ge [sflag:s21], $0x6400  }
0x67: {  	[sflag:s21] =	ssyncset.done $0x0  }
0x68: {  	s31 =	simm.s32 $0x12C80;
	[sflag:s21] =	ssyncadd.s32 $0xFFFF9C00  }
0x69: {  	v0 =	vld [tilespmem:s31+$0xFFFFFFA0]  }
0x6a: {  	v5 =	vld [tilespmem:s31+$0xFFFFFF80]  }
0x6b: {  	v6 =	vld [tilespmem:s31+$0x30]  }
0x6c: {  	v2 =	vld [tilespmem:s31+$0x20]  }
0x6d: {  	v3 =	vld [tilespmem:s31+$0x10]  }
0x6e: {  	v4 =	vld [tilespmem:s31+$0x0];
	v7 =	vmul.f32 $8.000000000e+00, v0  }
0x6f: {  	v1 =	vld [tilespmem:s31+$0xFFFFFFB0];
	v5 =	vmul.f32 $8.000000000e+00, v5  }
0x70: {  	s1 =	simm.s32 $0x0;
	s0 =	simm.s32 $0x12D80;
	v0 =	vld [tilespmem:s31+$0xFFFFFF90];
	v6 =	vmul.f32 $8.000000000e+00, v6;
	[tilespmem:s31+$0xFFFFFFA0] =	vst v7  }
.LBB2_7:
0x71: {  	v7 =	vld [tilespmem:s0+$0xFFFFFFA0];
	s1 =	sadd.s32 $0x2, s1;
	[tilespmem:s31+$0xFFFFFF80] =	vst v5;
	v2 =	vmul.f32 $8.000000000e+00, v2  }
0x72: {  	v5 =	vld [tilespmem:s0+$0xFFFFFF80];
	p1 =	slt.u32 s1, $0xC6;
	v3 =	vmul.f32 $8.000000000e+00, v3;
	[tilespmem:s31+$0x30] =	vst v6  }
0x73: {  	v6 =	vld [tilespmem:s0+$0x30];
	v4 =	vmul.f32 $8.000000000e+00, v4;
	[tilespmem:s31+$0x20] =	vst v2  }
.Ltmp4:
0x74: {  	v2 =	vld [tilespmem:s0+$0x20];
	v1 =	vmul.f32 $8.000000000e+00, v1;
	[tilespmem:s31+$0x10] =	vst v3;
	(pc) =	sbr.rel @p1 .LBB2_7-.Ltmp4, $4  }
0x75: {  	v3 =	vld [tilespmem:s0+$0x10];
	v0 =	vmul.f32 $8.000000000e+00, v0;
	[tilespmem:s31+$0x0] =	vst v4  }
0x76: {  	v7 =	vmul.f32 $8.000000000e+00, v7;
	v4 =	vld [tilespmem:s0+$0x0];
	[tilespmem:s31+$0xFFFFFFB0] =	vst v1  }
0x77: {  	v5 =	vmul.f32 $8.000000000e+00, v5;
	v1 =	vld [tilespmem:s0+$0xFFFFFFB0];
	[tilespmem:s31+$0xFFFFFF90] =	vst v0;
	s31 =	smov.u32 s0  }
0x78: {  	s0 =	sadd.s32 $0x100, s0;
	v0 =	vld [tilespmem:s31+$0xFFFFFF90];
	[tilespmem:s31+$0xFFFFFFA0] =	vst v7;
	v6 =	vmul.f32 $8.000000000e+00, v6  }
0x79: {  	[tilespmem:s31+$0xFFFFFF80] =	vst v5;
	v2 =	vmul.f32 $8.000000000e+00, v2  }
0x7a: {  	v3 =	vmul.f32 $8.000000000e+00, v3;
	[tilespmem:s31+$0x30] =	vst v6  }
0x7b: {  	v4 =	vmul.f32 $8.000000000e+00, v4;
	[tilespmem:s31+$0x20] =	vst v2  }
0x7c: {  	v1 =	vmul.f32 $8.000000000e+00, v1;
	[tilespmem:s31+$0x10] =	vst v3  }
0x7d: {  	s0 =	sadd.s32 s30, s8;
	v0 =	vmul.f32 $8.000000000e+00, v0;
	[tilespmem:s31+$0x0] =	vst v4  }
0x7e: {  	s0 =	sshll.u32 s0, $0x4;
	[tilespmem:s31+$0xFFFFFFB0] =	vst v1  }
0x7f: {  	s0 =	sadd.s32 s3, s0;
	[tilespmem:s31+$0xFFFFFF90] =	vst v0  }
0x80: {  	[hbm4b:s0+s5] =	stream.linear.scatter [tilespmem:s16], [sflag:$0x7], $0x6400, $0x38;
	[tilespmem:$0x1F400] =	vst v63  }
0x81: {  	s0 =	simm.s32 @!p0 $0x7  }
0x82: {  	_ =	swait.ge @!p0 [sflag:s0], $0x6400  }
0x83: {  	s1 =	simm.s32 @!p0 $0xC8;
	[sflag:s0] =	ssyncset.done @!p0 $0x0  }
0x84: {  	s31 =	simm.s32 @!p0 $0x12C00;
	[sflag:s0] =	ssyncadd.s32 @!p0 $0xFFFF9C00;
	s0 =	sadd.s32 @!p0 $0x4B0, s30  }
0x85: {  	[tilespmem:s31], [sflag:$0x3] =	stream.indirect.gather @!p0 [hbm4b:s2+s1], $0x80, s0, s1, $0xb8;
	[tilespmem:$0x1F400] =	vst v63  }
0x86: {  	_ =	swait.ge [sflag:s22], $0x6400  }
0x87: {  	[sflag:s22] =	ssyncset.done $0x0  }
0x88: {  	s31 =	simm.s32 $0x19080;
	[sflag:s22] =	ssyncadd.s32 $0xFFFF9C00  }
0x89: {  	v0 =	vld [tilespmem:s31+$0xFFFFFFA0]  }
0x8a: {  	v5 =	vld [tilespmem:s31+$0xFFFFFF80]  }
0x8b: {  	v6 =	vld [tilespmem:s31+$0x30]  }
0x8c: {  	v2 =	vld [tilespmem:s31+$0x20]  }
0x8d: {  	v3 =	vld [tilespmem:s31+$0x10]  }
0x8e: {  	v4 =	vld [tilespmem:s31+$0x0];
	v7 =	vmul.f32 $8.000000000e+00, v0  }
0x8f: {  	v1 =	vld [tilespmem:s31+$0xFFFFFFB0];
	v5 =	vmul.f32 $8.000000000e+00, v5  }
0x90: {  	s1 =	simm.s32 $0x0;
	s0 =	simm.s32 $0x19180;
	v0 =	vld [tilespmem:s31+$0xFFFFFF90];
	v6 =	vmul.f32 $8.000000000e+00, v6;
	[tilespmem:s31+$0xFFFFFFA0] =	vst v7  }
.LBB2_9:
0x91: {  	v7 =	vld [tilespmem:s0+$0xFFFFFFA0];
	s1 =	sadd.s32 $0x2, s1;
	[tilespmem:s31+$0xFFFFFF80] =	vst v5;
	v2 =	vmul.f32 $8.000000000e+00, v2  }
0x92: {  	v5 =	vld [tilespmem:s0+$0xFFFFFF80];
	p1 =	slt.u32 s1, $0xC6;
	v3 =	vmul.f32 $8.000000000e+00, v3;
	[tilespmem:s31+$0x30] =	vst v6  }
0x93: {  	v6 =	vld [tilespmem:s0+$0x30];
	v4 =	vmul.f32 $8.000000000e+00, v4;
	[tilespmem:s31+$0x20] =	vst v2  }
.Ltmp5:
0x94: {  	v2 =	vld [tilespmem:s0+$0x20];
	v1 =	vmul.f32 $8.000000000e+00, v1;
	[tilespmem:s31+$0x10] =	vst v3;
	(pc) =	sbr.rel @p1 .LBB2_9-.Ltmp5, $4  }
0x95: {  	v3 =	vld [tilespmem:s0+$0x10];
	v0 =	vmul.f32 $8.000000000e+00, v0;
	[tilespmem:s31+$0x0] =	vst v4  }
0x96: {  	v7 =	vmul.f32 $8.000000000e+00, v7;
	v4 =	vld [tilespmem:s0+$0x0];
	[tilespmem:s31+$0xFFFFFFB0] =	vst v1  }
0x97: {  	v5 =	vmul.f32 $8.000000000e+00, v5;
	v1 =	vld [tilespmem:s0+$0xFFFFFFB0];
	[tilespmem:s31+$0xFFFFFF90] =	vst v0;
	s31 =	smov.u32 s0  }
0x98: {  	s0 =	sadd.s32 $0x100, s0;
	v0 =	vld [tilespmem:s31+$0xFFFFFF90];
	[tilespmem:s31+$0xFFFFFFA0] =	vst v7;
	v6 =	vmul.f32 $8.000000000e+00, v6  }
0x99: {  	[tilespmem:s31+$0xFFFFFF80] =	vst v5;
	v2 =	vmul.f32 $8.000000000e+00, v2  }
0x9a: {  	v3 =	vmul.f32 $8.000000000e+00, v3;
	[tilespmem:s31+$0x30] =	vst v6  }
0x9b: {  	v4 =	vmul.f32 $8.000000000e+00, v4;
	[tilespmem:s31+$0x20] =	vst v2  }
.Ltmp6:
0x9c: {  	v1 =	vmul.f32 $8.000000000e+00, v1;
	[tilespmem:s31+$0x10] =	vst v3;
	(pc) =	sbr.rel @p0 .LBB2_12-.Ltmp6, $4  }
0x9d: {  	s0 =	sadd.s32 s30, s9;
	v0 =	vmul.f32 $8.000000000e+00, v0;
	[tilespmem:s31+$0x0] =	vst v4  }
0x9e: {  	s0 =	sshll.u32 s0, $0x4;
	[tilespmem:s31+$0xFFFFFFB0] =	vst v1  }
0x9f: {  	s0 =	sadd.s32 s3, s0;
	[tilespmem:s31+$0xFFFFFF90] =	vst v0  }
0xa0: {  	[hbm4b:s0+s5] =	stream.linear.scatter [tilespmem:s18], [sflag:$0x8], $0x6400, $0x38;
	[tilespmem:$0x1F400] =	vst v63  }
.Ltmp7:
0xa1: {  	(pc) =	sbr.rel .LBB2_2-.Ltmp7, $4  }
0xa2: {  	_ =	swait.ge [sflag:s26], $0x6400  }
0xa3: {  	[sflag:s26] =	ssyncset.done $0x0  }
0xa4: {  	s0 =	sadd.s32 $0x578, s30;
	s29 =	sadd.s32 $0x1, s29;
	[sflag:s26] =	ssyncadd.s32 $0xFFFF9C00  }
0xa5: {  	[tilespmem:s18], [sflag:$0x4] =	stream.indirect.gather [hbm4b:s2+s12], $0x80, s0, s12, $0xb8;
	[tilespmem:$0x1F400] =	vst v63  }
.LBB2_13:
0xa6: {  	_ =	sfence.sel $0x180000  }
0xa7: {  	[bflag:$0x0] =	sbarrier.arrive $0xFFFF  }
0xa8: {  	_ =	strace $0x90000047  }
0xa9: {  	s0 =	stileid.u32;
	[bflag:$0x2] =	sbarrier.arrive $0xFFFF  }
0xaa: {  	p0 =	sne.s32 s0, $0x0;
	s0 =	rddreg [dreg:$0x3]  }
0xab: {  	s0 =	sadd.s32 @!p0 $0x100000, s0  }
0xac: {  	[sflag:s0] =	ssyncadd.tile.s32 @!p0 $0x1;
	_ =	shalt  }
.Lfunc_end2:
_tile_overlayer_lowered:
.L_overlay_start_2:
0xad: {  	(tag) =	ssettag $0x2  }
0xae: {  	s0 =	rddreg [dreg:$0x0];
	s2 =	stileid.u32  }
0xaf: {  	s1 =	rddreg [dreg:$0x1];
	p0 =	sne.s32 s2, $0x0  }
0xb0: {  	s3 =	rddreg [dreg:$0x2];
	[bflag:$0x3] =	sbarrier.arrive $0xFFFF;
	s2 =	simm.s32 @!p0 $0x1C09  }
0xb1: {  	[timem:s3], [sflag:s2] =	dma.local @!p0 [hbm:s0], s1  }
0xb2: {  	s0 =	simm.s32 @!p0 $0x9  }
0xb3: {  	_ =	swait.ge @!p0 [sflag:s0], s1  }
0xb4: {  	s1 =	ssub.s32 @!p0 $0x0, s1;
	[sflag:s0] =	ssyncset.done @!p0 $0x0  }
0xb5: {  	[sflag:s0] =	ssyncadd.s32 @!p0 s1  }
0xb6: {  	[bflag:$0x3] =	sbarrier.arrive $0xFFFF  }
0xb7: {  	_ =	shalt  }

</sc_bundles>
